<compile_context>
chip_gen: v7x
topology: tpu7x:2x2x1
jax: 0.10.2.dev20260603
libtpu: 0.0.44.dev20260713+nightly
codegen_flags: <defaults>
</compile_context>

<pallas_src>
import functools

import jax
import jax.numpy as jnp
from jax import lax
from jax.experimental import pallas as pl
from jax.experimental.pallas import tpu as pltpu
from jax.experimental.pallas import tpu_sc as plsc

NC = 2
NS = 16
LANES = 16
CHUNK = 64
NBUF = 4
IRING = 8
FPD = 4
CHB = 156


@functools.partial(jax.jit, static_argnames=("N", "D"))
def _sc_edge_aggregate(x, edge_index, zrows, *, N, D):
    NP = N
    STRIDE = 624
    SPAN = 640
    assert STRIDE * (NS - 1) + SPAN == N

    mesh = plsc.VectorSubcoreMesh(
        core_axis_name="c", subcore_axis_name="s", num_cores=NC,
        num_subcores=NS)

    @functools.partial(
        pl.kernel,
        out_type=[
            jax.ShapeDtypeStruct((NC, N, D), jnp.float32),
            jax.ShapeDtypeStruct((NC * NS, 1, N), jnp.float32),
        ],
        mesh=mesh,
        compiler_params=pltpu.CompilerParams(needs_layout_passes=False),
        scratch_types=[
            pltpu.VMEM((IRING, 2, 2 * CHUNK), jnp.int32),
            pltpu.VMEM((NBUF, CHUNK, D), jnp.float32),
            pltpu.VMEM((NBUF, CHUNK), jnp.int32),
            pltpu.VMEM((NP,), jnp.float32),
            pltpu.VMEM_SHARED((NP, D), jnp.float32),
            pltpu.SemaphoreType.DMA((IRING,)),
            pltpu.SemaphoreType.DMA((NBUF,)),
            pltpu.SemaphoreType.DMA((NBUF,)),
        ],
    )
    def k(x_hbm, edges_hbm, z_hbm, agg_out, deg_out,
          idx_v, rows_v, dstb_v, deg_v, agg_sh, isem, gsem, ssem):
        c = lax.axis_index("c")
        s = lax.axis_index("s")
        wid = c * NS + s
        CHL = CHB + 2 * (s < 2)
        fbase = (c * (NS * CHB + 4) + s * CHB + 2 * jnp.minimum(s, 2)) // 2

        pltpu.sync_copy(z_hbm, agg_sh.at[pl.ds(s * STRIDE, SPAN)])
        zeros16 = jnp.zeros((LANES,), jnp.float32)

        @pl.loop(0, NP // LANES)
        def _(i):
            deg_v[pl.ds(i * LANES, LANES)] = zeros16

        plsc.subcore_barrier()

        ones16 = jnp.ones((LANES,), jnp.float32)

        def idx_desc(f):
            b = lax.rem(f, IRING)
            return pltpu.make_async_copy(
                edges_hbm.at[:, pl.ds((fbase + f) * 2 * CHUNK, 2 * CHUNK)],
                idx_v.at[b], isem.at[b])

        def gather_desc(j):
            b = lax.rem(j, NBUF)
            ib = lax.rem(lax.div(j, 2), IRING)
            h = lax.rem(j, 2) * CHUNK
            return pltpu.make_async_copy(
                x_hbm.at[idx_v.at[ib, 0, pl.ds(h, CHUNK)]], rows_v.at[b],
                gsem.at[b])

        def scatter_desc(j):
            b = lax.rem(j, NBUF)
            return pltpu.make_async_copy(
                rows_v.at[b], agg_sh.at[dstb_v.at[b]], ssem.at[b])

        for f in range(FPD):
            idx_desc(f).start()
        for f in range(2):
            idx_desc(f).wait()
        for j in range(NBUF - 1):
            gather_desc(j).start()

        @pl.loop(0, CHL)
        def _(j):
            nxt = j + NBUF - 1

            @pl.when(nxt < CHL)
            def _():
                @pl.when(j >= 1)
                def _():
                    scatter_desc(j - 1).wait()

                fn = lax.div(nxt, 2)

                @pl.when((lax.rem(nxt, 2) == 0) & (fn >= 2))
                def _():
                    idx_desc(fn).wait()
                    nf = fn + FPD - 2

                    @pl.when(2 * nf < CHL)
                    def _():
                        idx_desc(nf).start()

                gather_desc(nxt).start()

            gather_desc(j).wait()
            b = lax.rem(j, NBUF)
            ib = lax.rem(lax.div(j, 2), IRING)
            h = lax.rem(j, 2) * CHUNK
            for kk in range(CHUNK // LANES):
                dvec = idx_v[ib, 1, pl.ds(h + kk * LANES, LANES)]
                dstb_v[b, pl.ds(kk * LANES, LANES)] = dvec
                plsc.addupdate_scatter(deg_v, [dvec], ones16)
            scatter_desc(j).start(add=True)

        for i in range(NBUF):
            scatter_desc(CHL - NBUF + i).wait()

        plsc.subcore_barrier()

        pltpu.sync_copy(agg_sh.at[pl.ds(s * STRIDE, SPAN)],
                        agg_out.at[c, pl.ds(s * STRIDE, SPAN)])
        pltpu.sync_copy(deg_v.at[pl.ds(0, N)], deg_out.at[wid, 0])

    return k(x, edge_index, zrows)


def _tc_body(R, G, grid,
             x_r, a0_r, a1_r, deg_r, batch_r, wl_r, wr_r, bl_r, gm_r, bt_r,
             node_r, graph_r, acc_r):
    i = pl.program_id(0)
    deg = jnp.sum(deg_r[...], axis=1, keepdims=True)
    agg = a0_r[...] + a1_r[...]
    mean = agg / jnp.maximum(deg, 1.0)
    conv = (lax.dot_general(mean, wl_r[...], (((1,), (1,)), ((), ())))
            + bl_r[...]
            + lax.dot_general(x_r[...], wr_r[...], (((1,), (1,)), ((), ()))))

    def ln(v):
        mu = jnp.mean(v, axis=-1, keepdims=True)
        var = jnp.mean((v - mu) * (v - mu), axis=-1, keepdims=True)
        return (v - mu) / jnp.sqrt(var + 1e-5) * gm_r[...] + bt_r[...]

    node_r[...] = jnp.maximum(ln(conv + x_r[...]), 0.0)

    oh = (batch_r[...] == lax.broadcasted_iota(jnp.int32, (R, G), 1)
          ).astype(jnp.float32)
    contrib = lax.dot_general(oh, conv, (((0,), (0,)), ((), ())))

    @pl.when(i == 0)
    def _():
        acc_r[...] = contrib

    @pl.when(i > 0)
    def _():
        acc_r[...] = acc_r[...] + contrib

    @pl.when(i == grid - 1)
    def _():
        graph_r[...] = jnp.maximum(ln(acc_r[...]), 0.0)


@functools.partial(jax.jit, static_argnames=("R", "G"))
def _tc_tail(x, a0, a1, deg_p, batch2, W_l, W_r, b_l, gamma, beta, *, R, G):
    N, D = x.shape
    grid = N // R
    row_spec = pl.BlockSpec((R, D), lambda i: (i, 0))
    full_spec = pl.BlockSpec((D, D), lambda i: (0, 0))
    vec_spec = pl.BlockSpec((1, D), lambda i: (0, 0))
    return pl.pallas_call(
        functools.partial(_tc_body, R, G, grid),
        grid=(grid,),
        in_specs=[
            row_spec,
            row_spec,
            row_spec,
            pl.BlockSpec((R, NC * NS), lambda i: (i, 0)),
            pl.BlockSpec((R, 1), lambda i: (i, 0)),
            full_spec,
            full_spec,
            vec_spec,
            vec_spec,
            vec_spec,
        ],
        out_specs=[
            row_spec,
            pl.BlockSpec((G, D), lambda i: (0, 0)),
        ],
        out_shape=[
            jax.ShapeDtypeStruct((N, D), jnp.float32),
            jax.ShapeDtypeStruct((G, D), jnp.float32),
        ],
        scratch_shapes=[pltpu.VMEM((G, D), jnp.float32)],
    )(x, a0, a1, deg_p, batch2, W_l, W_r, b_l, gamma, beta)


def kernel(x, edge_index, batch, W_l, b_l, W_r, gamma, beta):
    N, D = x.shape
    E = edge_index.shape[1]
    G = 16

    assert E == CHUNK * (NC * NS * CHB + NC * 4)
    zrows = jnp.zeros((640, D), jnp.float32)

    agg_part, deg_part = _sc_edge_aggregate(
        x, edge_index.astype(jnp.int32), zrows, N=N, D=D)

    node_out, graph_out = _tc_tail(
        x, agg_part[0], agg_part[1], deg_part.reshape(NC * NS, N).T,
        batch.astype(jnp.int32).reshape(N, 1),
        W_l, W_r, b_l.reshape(1, D), gamma.reshape(1, D), beta.reshape(1, D),
        R=5000, G=G)
    return (node_out, graph_out)

# --- scband reference (transcript-rebuilt; emitter-appended) ---
"""Pipeline reference for scband-block-22101901705917 (READ-ONLY COPY).

The authoritative reference and input builder live on the scoring server;
editing this copy changes nothing except your own understanding.
"""

import jax, jax.numpy as jnp
import numpy as np

N = 10000
E = 320000
D = 128
G = 16


def setup_inputs(seed: int = 0) -> dict:
    key = jax.random.key(seed)
    ks = jax.random.split(key, 8)
    x = jax.random.normal(ks[0], (N, D), dtype=jnp.float32)
    edge_index = jax.random.randint(ks[1], (2, E), 0, N)
    batch = jnp.sort(jax.random.randint(ks[2], (N,), 0, G))
    scale = 1.0 / np.sqrt(D)
    W_l = jax.random.normal(ks[3], (D, D), dtype=jnp.float32) * scale
    b_l = jnp.zeros((D,), dtype=jnp.float32)
    W_r = jax.random.normal(ks[4], (D, D), dtype=jnp.float32) * scale
    gamma = jnp.ones((D,), dtype=jnp.float32)
    beta = jnp.zeros((D,), dtype=jnp.float32)
    return {"x": x, "edge_index": edge_index, "batch": batch,
            "W_l": W_l, "b_l": b_l, "W_r": W_r, "gamma": gamma, "beta": beta}


def reference(x, edge_index, batch, W_l, b_l, W_r, gamma, beta):
    # Single-layer GraphSAGE conv (mean aggregation):
    #   out = lin_l(mean_{j in N(i)} x_j) + lin_r(x_i)
    src = edge_index[0]
    dst = edge_index[1]
    msg = jnp.take(x, src, axis=0)                                  # gather  [E, D]
    agg = jax.ops.segment_sum(msg, dst, num_segments=N)             # scatter-add
    deg = jax.ops.segment_sum(jnp.ones((E,), jnp.float32), dst, num_segments=N)
    mean_agg = agg / jnp.clip(deg, 1.0)[:, None]
    conv_node = mean_agg @ W_l.T + b_l + x @ W_r.T                  # [N, D]
    # graph_aggr='add' pooling over batch assignment
    graph_out = jax.ops.segment_sum(conv_node, batch, num_segments=G)  # [G, D]
    # residual (channel_match=True, graph_embed is None -> no graph residual)
    node_out = conv_node + x

    def layer_norm(v):
        mu = jnp.mean(v, axis=-1, keepdims=True)
        var = jnp.var(v, axis=-1, keepdims=True)
        return (v - mu) / jnp.sqrt(var + 1e-5) * gamma + beta

    node_out = jax.nn.relu(layer_norm(node_out))
    graph_out = jax.nn.relu(layer_norm(graph_out))
    return (node_out, graph_out)

if __name__ == "__main__":
    import jax
    _d = setup_inputs()
    print(jax.jit(kernel)(*tuple(_d.values())))

</pallas_src>

<mosaic_0001>
#map = affine_map<(d0, d1) -> (0, 0)>
#map1 = affine_map<(d0, d1) -> (0, 0, 0)>
module attributes {stable_mosaic.version = 14 : i64} {
  func.func @k(%arg0: i32, %arg1: i32, %arg2: memref<10000x128xf32, #tpu.memory_space<hbm>>, %arg3: memref<2x320000xi32, #tpu.memory_space<hbm>>, %arg4: memref<640x128xf32, #tpu.memory_space<hbm>>, %arg5: memref<2x10000x128xf32, #tpu.memory_space<hbm>>, %arg6: memref<32x1x10000xf32, #tpu.memory_space<hbm>>, %arg7: memref<8x2x128xi32, #tpu.memory_space<vmem>>, %arg8: memref<4x64x128xf32, #tpu.memory_space<vmem>>, %arg9: memref<4x64xi32, #tpu.memory_space<vmem>>, %arg10: memref<10000xf32, #tpu.memory_space<vmem>>, %arg11: memref<10000x128xf32, #tpu.memory_space<vmem_shared>>, %arg12: memref<8x!tpu.dma_semaphore, #tpu.memory_space<semaphore_mem>>, %arg13: memref<4x!tpu.dma_semaphore, #tpu.memory_space<semaphore_mem>>, %arg14: memref<4x!tpu.dma_semaphore, #tpu.memory_space<semaphore_mem>>) attributes {dimension_semantics = [#tpu.dimension_semantics<core_parallel>, #tpu.dimension_semantics<subcore_parallel>], iteration_bounds = array<i64: 2, 16>, scalar_prefetch = 0 : i64, scratch_operands = 8 : i64, tpu.core_type = #tpu.core_type<sc_vector_subcore>, window_params = [{transform_indices = #map}, {transform_indices = #map}, {transform_indices = #map}, {transform_indices = #map1}, {transform_indices = #map1}]} {
    %mul3A = arith.constant 16 : i32
    %mul3A_0 = arith.muli %arg0, %mul3A : i32
    %add3A = arith.addi %mul3A_0, %arg1 : i32
    %lt3A = arith.constant 2 : i32
    %lt3A_1 = arith.cmpi slt, %arg1, %lt3A : i32
    %convert_element_type3A = arith.extui %lt3A_1 : i1 to i32
    %mul3A_2 = arith.constant 2 : i32
    %mul3A_3 = arith.muli %mul3A_2, %convert_element_type3A : i32
    %add3A_4 = arith.constant 156 : i32
    %add3A_5 = arith.addi %add3A_4, %mul3A_3 : i32
    %mul3A_6 = arith.constant 2500 : i32
    %mul3A_7 = arith.muli %arg0, %mul3A_6 : i32
    %mul3A_8 = arith.constant 156 : i32
    %mul3A_9 = arith.muli %arg1, %mul3A_8 : i32
    %add3A_10 = arith.addi %mul3A_7, %mul3A_9 : i32
    %min3A = arith.constant 2 : i32
    %min3A_11 = arith.minsi %arg1, %min3A : i32
    %mul3A_12 = arith.constant 2 : i32
    %mul3A_13 = arith.muli %mul3A_12, %min3A_11 : i32
    %add3A_14 = arith.addi %add3A_10, %mul3A_13 : i32
    %jit3A = arith.constant 2 : i32
    %div3A = arith.divsi %add3A_14, %jit3A : i32
    %sign3A = arith.constant 0 : i32
    %sign3A_15 = arith.cmpi sgt, %add3A_14, %sign3A : i32
    %sign3A_16 = arith.extui %sign3A_15 : i1 to i32
    %sign3A_17 = arith.constant 0 : i32
    %sign3A_18 = arith.cmpi slt, %add3A_14, %sign3A_17 : i32
    %sign3A_19 = arith.extui %sign3A_18 : i1 to i32
    %sign3A_20 = arith.subi %sign3A_16, %sign3A_19 : i32
    %sign3A_21 = arith.constant 0 : i32
    %sign3A_22 = arith.cmpi sgt, %jit3A, %sign3A_21 : i32
    %sign3A_23 = arith.extui %sign3A_22 : i1 to i32
    %sign3A_24 = arith.constant 0 : i32
    %sign3A_25 = arith.cmpi slt, %jit3A, %sign3A_24 : i32
    %sign3A_26 = arith.extui %sign3A_25 : i1 to i32
    %sign3A_27 = arith.subi %sign3A_23, %sign3A_26 : i32
    %ne3A = arith.cmpi ne, %sign3A_20, %sign3A_27 : i32
    %rem3A = arith.remsi %add3A_14, %jit3A : i32
    %ne3A_28 = arith.constant 0 : i32
    %ne3A_29 = arith.cmpi ne, %rem3A, %ne3A_28 : i32
    %and3A = arith.andi %ne3A, %ne3A_29 : i1
    %sub3A = arith.constant 1 : i32
    %sub3A_30 = arith.subi %div3A, %sub3A : i32
    %select_n3A = arith.select %and3A, %sub3A_30, %div3A : i32
    %mul3A_31 = arith.constant 624 : i32
    %mul3A_32 = arith.muli %arg1, %mul3A_31 : i32
    "tpu.region"() ({
      %run_scoped3A_346 = tpu.sem_alloc : memref<!tpu.dma_semaphore, #tpu.memory_space<semaphore_mem>>
      %dma_start3A_347 = arith.constant 0 : i32
      %dma_start3A_348 = tpu.memref_slice %arg11[%mul3A_32, %dma_start3A_347] : memref<10000x128xf32, #tpu.memory_space<vmem_shared>> -> memref<640x128xf32, #tpu.memory_space<vmem_shared>>
      tpu.enqueue_dma source(%arg4 : memref<640x128xf32, #tpu.memory_space<hbm>>) target(%dma_start3A_348 : memref<640x128xf32, #tpu.memory_space<vmem_shared>>) target_semaphore(%run_scoped3A_346 : memref<!tpu.dma_semaphore, #tpu.memory_space<semaphore_mem>>)
      %dma_wait3A_349 = arith.constant 0 : i32
      %dma_wait3A_350 = tpu.memref_slice %arg11[%mul3A_32, %dma_wait3A_349] : memref<10000x128xf32, #tpu.memory_space<vmem_shared>> -> memref<640x128xf32, #tpu.memory_space<vmem_shared>>
      tpu.wait_dma2 semaphore(%run_scoped3A_346 : memref<!tpu.dma_semaphore, #tpu.memory_space<semaphore_mem>>) src(%arg4 : memref<640x128xf32, #tpu.memory_space<hbm>>) dst(%dma_wait3A_350 : memref<640x128xf32, #tpu.memory_space<vmem_shared>>)
      tpu.yield
    }) : () -> ()
    %broadcast_in_dim3A = arith.constant 0.000000e+00 : f32
    %broadcast_in_dim3A_33 = vector.broadcast %broadcast_in_dim3A : f32 to vector<16xf32>
    %scan3A = arith.constant 0 : i32
    %scan3A_34 = arith.constant 625 : i32
    %scan3A_35 = arith.addi %scan3A, %scan3A_34 : i32
    %scan3A_36 = arith.constant 1 : i32
    scf.for %scan3A_346 = %scan3A to %scan3A_35 step %scan3A_36  : i32 {
      %mul3A_347 = arith.constant 1 : i32
      %mul3A_348 = arith.muli %scan3A_346, %mul3A_347 : i32
      %add3A_349 = arith.constant 0 : i32
      %add3A_350 = arith.addi %add3A_349, %mul3A_348 : i32
      %mul3A_351 = arith.constant 16 : i32
      %mul3A_352 = arith.muli %add3A_350, %mul3A_351 : i32
      %swap3A = arith.index_cast %mul3A_352 : i32 to index
      %swap3A_353 = tpu.vector_load %arg10[%swap3A] {strides = array<i32>} : memref<10000xf32, #tpu.memory_space<vmem>>, vector<16xf32>,
      tpu.vector_store %arg10[%swap3A], %broadcast_in_dim3A_33 {strides = array<i32>} : memref<10000xf32, #tpu.memory_space<vmem>>, vector<16xf32>,
    }
    %scan3A_37 = arith.constant 625 : i32
    %barrier3A = arith.constant 0 : index
    tpu.barrier barrier_id(%barrier3A)
    %broadcast_in_dim3A_38 = arith.constant 1.000000e+00 : f32
    %broadcast_in_dim3A_39 = vector.broadcast %broadcast_in_dim3A_38 : f32 to vector<16xf32>
    %rem3A_40 = arith.constant 0 : i32
    %rem3A_41 = arith.constant 8 : i32
    %rem3A_42 = arith.remsi %rem3A_40, %rem3A_41 : i32
    %add3A_43 = arith.constant 0 : i32
    %add3A_44 = arith.addi %select_n3A, %add3A_43 : i32
    %mul3A_45 = arith.constant 2 : i32
    %mul3A_46 = arith.muli %add3A_44, %mul3A_45 : i32
    %mul3A_47 = arith.constant 64 : i32
    %mul3A_48 = arith.muli %mul3A_46, %mul3A_47 : i32
    %dma_start3A = arith.constant 0 : i32
    %dma_start3A_49 = arith.constant 0 : i32
    %dma_start3A_50 = tpu.memref_slice %arg7[%rem3A_42, %dma_start3A, %dma_start3A_49] : memref<8x2x128xi32, #tpu.memory_space<vmem>> -> memref<1x2x128xi32, #tpu.memory_space<vmem>>
    %dma_start3A_51 = tpu.memref_squeeze %dma_start3A_50 : memref<1x2x128xi32, #tpu.memory_space<vmem>> -> memref<2x128xi32, #tpu.memory_space<vmem>>
    %dma_start3A_52 = arith.constant 0 : i32
    %dma_start3A_53 = tpu.memref_slice %arg3[%dma_start3A_52, %mul3A_48] : memref<2x320000xi32, #tpu.memory_space<hbm>> -> memref<2x128xi32, #tpu.memory_space<hbm>>
    %dma_start3A_54 = tpu.memref_slice %arg12[%rem3A_42] : memref<8x!tpu.dma_semaphore, #tpu.memory_space<semaphore_mem>> -> memref<1x!tpu.dma_semaphore, #tpu.memory_space<semaphore_mem>>
    %dma_start3A_55 = tpu.memref_squeeze %dma_start3A_54 : memref<1x!tpu.dma_semaphore, #tpu.memory_space<semaphore_mem>> -> memref<!tpu.dma_semaphore, #tpu.memory_space<semaphore_mem>>
    %dma_start3A_56 = arith.constant 0 : i32
    %dma_start3A_57 = arith.constant 0 : i32
    %dma_start3A_58 = tpu.memref_slice %arg7[%rem3A_42, %dma_start3A_56, %dma_start3A_57] : memref<8x2x128xi32, #tpu.memory_space<vmem>> -> memref<1x2x128xi32, #tpu.memory_space<vmem>>
    %dma_start3A_59 = tpu.memref_squeeze %dma_start3A_58 : memref<1x2x128xi32, #tpu.memory_space<vmem>> -> memref<2x128xi32, #tpu.memory_space<vmem>>
    %dma_start3A_60 = arith.constant 0 : i32
    %dma_start3A_61 = tpu.memref_slice %arg3[%dma_start3A_60, %mul3A_48] : memref<2x320000xi32, #tpu.memory_space<hbm>> -> memref<2x128xi32, #tpu.memory_space<hbm>>
    tpu.enqueue_dma source(%dma_start3A_61 : memref<2x128xi32, #tpu.memory_space<hbm>>) target(%dma_start3A_59 : memref<2x128xi32, #tpu.memory_space<vmem>>) target_semaphore(%dma_start3A_55 : memref<!tpu.dma_semaphore, #tpu.memory_space<semaphore_mem>>)
    %rem3A_62 = arith.constant 1 : i32
    %rem3A_63 = arith.constant 8 : i32
    %rem3A_64 = arith.remsi %rem3A_62, %rem3A_63 : i32
    %add3A_65 = arith.constant 1 : i32
    %add3A_66 = arith.addi %select_n3A, %add3A_65 : i32
    %mul3A_67 = arith.constant 2 : i32
    %mul3A_68 = arith.muli %add3A_66, %mul3A_67 : i32
    %mul3A_69 = arith.constant 64 : i32
    %mul3A_70 = arith.muli %mul3A_68, %mul3A_69 : i32
    %dma_start3A_71 = arith.constant 0 : i32
    %dma_start3A_72 = arith.constant 0 : i32
    %dma_start3A_73 = tpu.memref_slice %arg7[%rem3A_64, %dma_start3A_71, %dma_start3A_72] : memref<8x2x128xi32, #tpu.memory_space<vmem>> -> memref<1x2x128xi32, #tpu.memory_space<vmem>>
    %dma_start3A_74 = tpu.memref_squeeze %dma_start3A_73 : memref<1x2x128xi32, #tpu.memory_space<vmem>> -> memref<2x128xi32, #tpu.memory_space<vmem>>
    %dma_start3A_75 = arith.constant 0 : i32
    %dma_start3A_76 = tpu.memref_slice %arg3[%dma_start3A_75, %mul3A_70] : memref<2x320000xi32, #tpu.memory_space<hbm>> -> memref<2x128xi32, #tpu.memory_space<hbm>>
    %dma_start3A_77 = tpu.memref_slice %arg12[%rem3A_64] : memref<8x!tpu.dma_semaphore, #tpu.memory_space<semaphore_mem>> -> memref<1x!tpu.dma_semaphore, #tpu.memory_space<semaphore_mem>>
    %dma_start3A_78 = tpu.memref_squeeze %dma_start3A_77 : memref<1x!tpu.dma_semaphore, #tpu.memory_space<semaphore_mem>> -> memref<!tpu.dma_semaphore, #tpu.memory_space<semaphore_mem>>
    %dma_start3A_79 = arith.constant 0 : i32
    %dma_start3A_80 = arith.constant 0 : i32
    %dma_start3A_81 = tpu.memref_slice %arg7[%rem3A_64, %dma_start3A_79, %dma_start3A_80] : memref<8x2x128xi32, #tpu.memory_space<vmem>> -> memref<1x2x128xi32, #tpu.memory_space<vmem>>
    %dma_start3A_82 = tpu.memref_squeeze %dma_start3A_81 : memref<1x2x128xi32, #tpu.memory_space<vmem>> -> memref<2x128xi32, #tpu.memory_space<vmem>>
    %dma_start3A_83 = arith.constant 0 : i32
    %dma_start3A_84 = tpu.memref_slice %arg3[%dma_start3A_83, %mul3A_70] : memref<2x320000xi32, #tpu.memory_space<hbm>> -> memref<2x128xi32, #tpu.memory_space<hbm>>
    tpu.enqueue_dma source(%dma_start3A_84 : memref<2x128xi32, #tpu.memory_space<hbm>>) target(%dma_start3A_82 : memref<2x128xi32, #tpu.memory_space<vmem>>) target_semaphore(%dma_start3A_78 : memref<!tpu.dma_semaphore, #tpu.memory_space<semaphore_mem>>)
    %rem3A_85 = arith.constant 2 : i32
    %rem3A_86 = arith.constant 8 : i32
    %rem3A_87 = arith.remsi %rem3A_85, %rem3A_86 : i32
    %add3A_88 = arith.constant 2 : i32
    %add3A_89 = arith.addi %select_n3A, %add3A_88 : i32
    %mul3A_90 = arith.constant 2 : i32
    %mul3A_91 = arith.muli %add3A_89, %mul3A_90 : i32
    %mul3A_92 = arith.constant 64 : i32
    %mul3A_93 = arith.muli %mul3A_91, %mul3A_92 : i32
    %dma_start3A_94 = arith.constant 0 : i32
    %dma_start3A_95 = arith.constant 0 : i32
    %dma_start3A_96 = tpu.memref_slice %arg7[%rem3A_87, %dma_start3A_94, %dma_start3A_95] : memref<8x2x128xi32, #tpu.memory_space<vmem>> -> memref<1x2x128xi32, #tpu.memory_space<vmem>>
    %dma_start3A_97 = tpu.memref_squeeze %dma_start3A_96 : memref<1x2x128xi32, #tpu.memory_space<vmem>> -> memref<2x128xi32, #tpu.memory_space<vmem>>
    %dma_start3A_98 = arith.constant 0 : i32
    %dma_start3A_99 = tpu.memref_slice %arg3[%dma_start3A_98, %mul3A_93] : memref<2x320000xi32, #tpu.memory_space<hbm>> -> memref<2x128xi32, #tpu.memory_space<hbm>>
    %dma_start3A_100 = tpu.memref_slice %arg12[%rem3A_87] : memref<8x!tpu.dma_semaphore, #tpu.memory_space<semaphore_mem>> -> memref<1x!tpu.dma_semaphore, #tpu.memory_space<semaphore_mem>>
    %dma_start3A_101 = tpu.memref_squeeze %dma_start3A_100 : memref<1x!tpu.dma_semaphore, #tpu.memory_space<semaphore_mem>> -> memref<!tpu.dma_semaphore, #tpu.memory_space<semaphore_mem>>
    %dma_start3A_102 = arith.constant 0 : i32
    %dma_start3A_103 = arith.constant 0 : i32
    %dma_start3A_104 = tpu.memref_slice %arg7[%rem3A_87, %dma_start3A_102, %dma_start3A_103] : memref<8x2x128xi32, #tpu.memory_space<vmem>> -> memref<1x2x128xi32, #tpu.memory_space<vmem>>
    %dma_start3A_105 = tpu.memref_squeeze %dma_start3A_104 : memref<1x2x128xi32, #tpu.memory_space<vmem>> -> memref<2x128xi32, #tpu.memory_space<vmem>>
    %dma_start3A_106 = arith.constant 0 : i32
    %dma_start3A_107 = tpu.memref_slice %arg3[%dma_start3A_106, %mul3A_93] : memref<2x320000xi32, #tpu.memory_space<hbm>> -> memref<2x128xi32, #tpu.memory_space<hbm>>
    tpu.enqueue_dma source(%dma_start3A_107 : memref<2x128xi32, #tpu.memory_space<hbm>>) target(%dma_start3A_105 : memref<2x128xi32, #tpu.memory_space<vmem>>) target_semaphore(%dma_start3A_101 : memref<!tpu.dma_semaphore, #tpu.memory_space<semaphore_mem>>)
    %rem3A_108 = arith.constant 3 : i32
    %rem3A_109 = arith.constant 8 : i32
    %rem3A_110 = arith.remsi %rem3A_108, %rem3A_109 : i32
    %add3A_111 = arith.constant 3 : i32
    %add3A_112 = arith.addi %select_n3A, %add3A_111 : i32
    %mul3A_113 = arith.constant 2 : i32
    %mul3A_114 = arith.muli %add3A_112, %mul3A_113 : i32
    %mul3A_115 = arith.constant 64 : i32
    %mul3A_116 = arith.muli %mul3A_114, %mul3A_115 : i32
    %dma_start3A_117 = arith.constant 0 : i32
    %dma_start3A_118 = arith.constant 0 : i32
    %dma_start3A_119 = tpu.memref_slice %arg7[%rem3A_110, %dma_start3A_117, %dma_start3A_118] : memref<8x2x128xi32, #tpu.memory_space<vmem>> -> memref<1x2x128xi32, #tpu.memory_space<vmem>>
    %dma_start3A_120 = tpu.memref_squeeze %dma_start3A_119 : memref<1x2x128xi32, #tpu.memory_space<vmem>> -> memref<2x128xi32, #tpu.memory_space<vmem>>
    %dma_start3A_121 = arith.constant 0 : i32
    %dma_start3A_122 = tpu.memref_slice %arg3[%dma_start3A_121, %mul3A_116] : memref<2x320000xi32, #tpu.memory_space<hbm>> -> memref<2x128xi32, #tpu.memory_space<hbm>>
    %dma_start3A_123 = tpu.memref_slice %arg12[%rem3A_110] : memref<8x!tpu.dma_semaphore, #tpu.memory_space<semaphore_mem>> -> memref<1x!tpu.dma_semaphore, #tpu.memory_space<semaphore_mem>>
    %dma_start3A_124 = tpu.memref_squeeze %dma_start3A_123 : memref<1x!tpu.dma_semaphore, #tpu.memory_space<semaphore_mem>> -> memref<!tpu.dma_semaphore, #tpu.memory_space<semaphore_mem>>
    %dma_start3A_125 = arith.constant 0 : i32
    %dma_start3A_126 = arith.constant 0 : i32
    %dma_start3A_127 = tpu.memref_slice %arg7[%rem3A_110, %dma_start3A_125, %dma_start3A_126] : memref<8x2x128xi32, #tpu.memory_space<vmem>> -> memref<1x2x128xi32, #tpu.memory_space<vmem>>
    %dma_start3A_128 = tpu.memref_squeeze %dma_start3A_127 : memref<1x2x128xi32, #tpu.memory_space<vmem>> -> memref<2x128xi32, #tpu.memory_space<vmem>>
    %dma_start3A_129 = arith.constant 0 : i32
    %dma_start3A_130 = tpu.memref_slice %arg3[%dma_start3A_129, %mul3A_116] : memref<2x320000xi32, #tpu.memory_space<hbm>> -> memref<2x128xi32, #tpu.memory_space<hbm>>
    tpu.enqueue_dma source(%dma_start3A_130 : memref<2x128xi32, #tpu.memory_space<hbm>>) target(%dma_start3A_128 : memref<2x128xi32, #tpu.memory_space<vmem>>) target_semaphore(%dma_start3A_124 : memref<!tpu.dma_semaphore, #tpu.memory_space<semaphore_mem>>)
    %rem3A_131 = arith.constant 0 : i32
    %rem3A_132 = arith.constant 8 : i32
    %rem3A_133 = arith.remsi %rem3A_131, %rem3A_132 : i32
    %add3A_134 = arith.constant 0 : i32
    %add3A_135 = arith.addi %select_n3A, %add3A_134 : i32
    %mul3A_136 = arith.constant 2 : i32
    %mul3A_137 = arith.muli %add3A_135, %mul3A_136 : i32
    %mul3A_138 = arith.constant 64 : i32
    %mul3A_139 = arith.muli %mul3A_137, %mul3A_138 : i32
    %dma_wait3A = arith.constant 0 : i32
    %dma_wait3A_140 = arith.constant 0 : i32
    %dma_wait3A_141 = tpu.memref_slice %arg7[%rem3A_133, %dma_wait3A, %dma_wait3A_140] : memref<8x2x128xi32, #tpu.memory_space<vmem>> -> memref<1x2x128xi32, #tpu.memory_space<vmem>>
    %dma_wait3A_142 = tpu.memref_squeeze %dma_wait3A_141 : memref<1x2x128xi32, #tpu.memory_space<vmem>> -> memref<2x128xi32, #tpu.memory_space<vmem>>
    %dma_wait3A_143 = arith.constant 0 : i32
    %dma_wait3A_144 = tpu.memref_slice %arg3[%dma_wait3A_143, %mul3A_139] : memref<2x320000xi32, #tpu.memory_space<hbm>> -> memref<2x128xi32, #tpu.memory_space<hbm>>
    %dma_wait3A_145 = tpu.memref_slice %arg12[%rem3A_133] : memref<8x!tpu.dma_semaphore, #tpu.memory_space<semaphore_mem>> -> memref<1x!tpu.dma_semaphore, #tpu.memory_space<semaphore_mem>>
    %dma_wait3A_146 = tpu.memref_squeeze %dma_wait3A_145 : memref<1x!tpu.dma_semaphore, #tpu.memory_space<semaphore_mem>> -> memref<!tpu.dma_semaphore, #tpu.memory_space<semaphore_mem>>
    %dma_wait3A_147 = arith.constant 0 : i32
    %dma_wait3A_148 = arith.constant 0 : i32
    %dma_wait3A_149 = tpu.memref_slice %arg7[%rem3A_133, %dma_wait3A_147, %dma_wait3A_148] : memref<8x2x128xi32, #tpu.memory_space<vmem>> -> memref<1x2x128xi32, #tpu.memory_space<vmem>>
    %dma_wait3A_150 = tpu.memref_squeeze %dma_wait3A_149 : memref<1x2x128xi32, #tpu.memory_space<vmem>> -> memref<2x128xi32, #tpu.memory_space<vmem>>
    %dma_wait3A_151 = arith.constant 0 : i32
    %dma_wait3A_152 = tpu.memref_slice %arg3[%dma_wait3A_151, %mul3A_139] : memref<2x320000xi32, #tpu.memory_space<hbm>> -> memref<2x128xi32, #tpu.memory_space<hbm>>
    tpu.wait_dma2 semaphore(%dma_wait3A_146 : memref<!tpu.dma_semaphore, #tpu.memory_space<semaphore_mem>>) src(%dma_wait3A_152 : memref<2x128xi32, #tpu.memory_space<hbm>>) dst(%dma_wait3A_150 : memref<2x128xi32, #tpu.memory_space<vmem>>)
    %rem3A_153 = arith.constant 1 : i32
    %rem3A_154 = arith.constant 8 : i32
    %rem3A_155 = arith.remsi %rem3A_153, %rem3A_154 : i32
    %add3A_156 = arith.constant 1 : i32
    %add3A_157 = arith.addi %select_n3A, %add3A_156 : i32
    %mul3A_158 = arith.constant 2 : i32
    %mul3A_159 = arith.muli %add3A_157, %mul3A_158 : i32
    %mul3A_160 = arith.constant 64 : i32
    %mul3A_161 = arith.muli %mul3A_159, %mul3A_160 : i32
    %dma_wait3A_162 = arith.constant 0 : i32
    %dma_wait3A_163 = arith.constant 0 : i32
    %dma_wait3A_164 = tpu.memref_slice %arg7[%rem3A_155, %dma_wait3A_162, %dma_wait3A_163] : memref<8x2x128xi32, #tpu.memory_space<vmem>> -> memref<1x2x128xi32, #tpu.memory_space<vmem>>
    %dma_wait3A_165 = tpu.memref_squeeze %dma_wait3A_164 : memref<1x2x128xi32, #tpu.memory_space<vmem>> -> memref<2x128xi32, #tpu.memory_space<vmem>>
    %dma_wait3A_166 = arith.constant 0 : i32
    %dma_wait3A_167 = tpu.memref_slice %arg3[%dma_wait3A_166, %mul3A_161] : memref<2x320000xi32, #tpu.memory_space<hbm>> -> memref<2x128xi32, #tpu.memory_space<hbm>>
    %dma_wait3A_168 = tpu.memref_slice %arg12[%rem3A_155] : memref<8x!tpu.dma_semaphore, #tpu.memory_space<semaphore_mem>> -> memref<1x!tpu.dma_semaphore, #tpu.memory_space<semaphore_mem>>
    %dma_wait3A_169 = tpu.memref_squeeze %dma_wait3A_168 : memref<1x!tpu.dma_semaphore, #tpu.memory_space<semaphore_mem>> -> memref<!tpu.dma_semaphore, #tpu.memory_space<semaphore_mem>>
    %dma_wait3A_170 = arith.constant 0 : i32
    %dma_wait3A_171 = arith.constant 0 : i32
    %dma_wait3A_172 = tpu.memref_slice %arg7[%rem3A_155, %dma_wait3A_170, %dma_wait3A_171] : memref<8x2x128xi32, #tpu.memory_space<vmem>> -> memref<1x2x128xi32, #tpu.memory_space<vmem>>
    %dma_wait3A_173 = tpu.memref_squeeze %dma_wait3A_172 : memref<1x2x128xi32, #tpu.memory_space<vmem>> -> memref<2x128xi32, #tpu.memory_space<vmem>>
    %dma_wait3A_174 = arith.constant 0 : i32
    %dma_wait3A_175 = tpu.memref_slice %arg3[%dma_wait3A_174, %mul3A_161] : memref<2x320000xi32, #tpu.memory_space<hbm>> -> memref<2x128xi32, #tpu.memory_space<hbm>>
    tpu.wait_dma2 semaphore(%dma_wait3A_169 : memref<!tpu.dma_semaphore, #tpu.memory_space<semaphore_mem>>) src(%dma_wait3A_175 : memref<2x128xi32, #tpu.memory_space<hbm>>) dst(%dma_wait3A_173 : memref<2x128xi32, #tpu.memory_space<vmem>>)
    %rem3A_176 = arith.constant 0 : i32
    %rem3A_177 = arith.constant 4 : i32
    %rem3A_178 = arith.remsi %rem3A_176, %rem3A_177 : i32
    %div3A_179 = arith.constant 0 : i32
    %div3A_180 = arith.constant 2 : i32
    %div3A_181 = arith.divsi %div3A_179, %div3A_180 : i32
    %rem3A_182 = arith.constant 8 : i32
    %rem3A_183 = arith.remsi %div3A_181, %rem3A_182 : i32
    %rem3A_184 = arith.constant 0 : i32
    %rem3A_185 = arith.constant 2 : i32
    %rem3A_186 = arith.remsi %rem3A_184, %rem3A_185 : i32
    %mul3A_187 = arith.constant 64 : i32
    %mul3A_188 = arith.muli %rem3A_186, %mul3A_187 : i32
    %dma_start3A_189 = arith.constant 0 : i32
    %dma_start3A_190 = arith.constant 0 : i32
    %dma_start3A_191 = arith.constant 0 : i32
    %dma_start3A_192 = tpu.memref_slice %arg8[%rem3A_178, %dma_start3A_190, %dma_start3A_191] : memref<4x64x128xf32, #tpu.memory_space<vmem>> -> memref<1x64x128xf32, #tpu.memory_space<vmem>>
    %dma_start3A_193 = tpu.memref_squeeze %dma_start3A_192 : memref<1x64x128xf32, #tpu.memory_space<vmem>> -> memref<64x128xf32, #tpu.memory_space<vmem>>
    %dma_start3A_194 = tpu.memref_slice %arg7[%rem3A_183, %dma_start3A_189, %mul3A_188] : memref<8x2x128xi32, #tpu.memory_space<vmem>> -> memref<1x1x64xi32, #tpu.memory_space<vmem>>
    %dma_start3A_195 = tpu.memref_squeeze %dma_start3A_194 : memref<1x1x64xi32, #tpu.memory_space<vmem>> -> memref<64xi32, #tpu.memory_space<vmem>>
    %dma_start3A_196 = arith.constant 0 : i32
    %dma_start3A_197 = arith.constant 0 : i32
    %dma_start3A_198 = tpu.memref_slice %arg2[%dma_start3A_196, %dma_start3A_197] : memref<10000x128xf32, #tpu.memory_space<hbm>> -> memref<10000x128xf32, #tpu.memory_space<hbm>>
    %dma_start3A_199 = tpu.memref_slice %arg13[%rem3A_178] : memref<4x!tpu.dma_semaphore, #tpu.memory_space<semaphore_mem>> -> memref<1x!tpu.dma_semaphore, #tpu.memory_space<semaphore_mem>>
    %dma_start3A_200 = tpu.memref_squeeze %dma_start3A_199 : memref<1x!tpu.dma_semaphore, #tpu.memory_space<semaphore_mem>> -> memref<!tpu.dma_semaphore, #tpu.memory_space<semaphore_mem>>
    tpu.enqueue_indirect_dma source(%dma_start3A_198 : memref<10000x128xf32, #tpu.memory_space<hbm>>) target(%dma_start3A_193 : memref<64x128xf32, #tpu.memory_space<vmem>>) offsets(%dma_start3A_195 : memref<64xi32, #tpu.memory_space<vmem>>) semaphore(%dma_start3A_200 : memref<!tpu.dma_semaphore, #tpu.memory_space<semaphore_mem>>)
    %rem3A_201 = arith.constant 1 : i32
    %rem3A_202 = arith.constant 4 : i32
    %rem3A_203 = arith.remsi %rem3A_201, %rem3A_202 : i32
    %div3A_204 = arith.constant 1 : i32
    %div3A_205 = arith.constant 2 : i32
    %div3A_206 = arith.divsi %div3A_204, %div3A_205 : i32
    %rem3A_207 = arith.constant 8 : i32
    %rem3A_208 = arith.remsi %div3A_206, %rem3A_207 : i32
    %rem3A_209 = arith.constant 1 : i32
    %rem3A_210 = arith.constant 2 : i32
    %rem3A_211 = arith.remsi %rem3A_209, %rem3A_210 : i32
    %mul3A_212 = arith.constant 64 : i32
    %mul3A_213 = arith.muli %rem3A_211, %mul3A_212 : i32
    %dma_start3A_214 = arith.constant 0 : i32
    %dma_start3A_215 = arith.constant 0 : i32
    %dma_start3A_216 = arith.constant 0 : i32
    %dma_start3A_217 = tpu.memref_slice %arg8[%rem3A_203, %dma_start3A_215, %dma_start3A_216] : memref<4x64x128xf32, #tpu.memory_space<vmem>> -> memref<1x64x128xf32, #tpu.memory_space<vmem>>
    %dma_start3A_218 = tpu.memref_squeeze %dma_start3A_217 : memref<1x64x128xf32, #tpu.memory_space<vmem>> -> memref<64x128xf32, #tpu.memory_space<vmem>>
    %dma_start3A_219 = tpu.memref_slice %arg7[%rem3A_208, %dma_start3A_214, %mul3A_213] : memref<8x2x128xi32, #tpu.memory_space<vmem>> -> memref<1x1x64xi32, #tpu.memory_space<vmem>>
    %dma_start3A_220 = tpu.memref_squeeze %dma_start3A_219 : memref<1x1x64xi32, #tpu.memory_space<vmem>> -> memref<64xi32, #tpu.memory_space<vmem>>
    %dma_start3A_221 = arith.constant 0 : i32
    %dma_start3A_222 = arith.constant 0 : i32
    %dma_start3A_223 = tpu.memref_slice %arg2[%dma_start3A_221, %dma_start3A_222] : memref<10000x128xf32, #tpu.memory_space<hbm>> -> memref<10000x128xf32, #tpu.memory_space<hbm>>
    %dma_start3A_224 = tpu.memref_slice %arg13[%rem3A_203] : memref<4x!tpu.dma_semaphore, #tpu.memory_space<semaphore_mem>> -> memref<1x!tpu.dma_semaphore, #tpu.memory_space<semaphore_mem>>
    %dma_start3A_225 = tpu.memref_squeeze %dma_start3A_224 : memref<1x!tpu.dma_semaphore, #tpu.memory_space<semaphore_mem>> -> memref<!tpu.dma_semaphore, #tpu.memory_space<semaphore_mem>>
    tpu.enqueue_indirect_dma source(%dma_start3A_223 : memref<10000x128xf32, #tpu.memory_space<hbm>>) target(%dma_start3A_218 : memref<64x128xf32, #tpu.memory_space<vmem>>) offsets(%dma_start3A_220 : memref<64xi32, #tpu.memory_space<vmem>>) semaphore(%dma_start3A_225 : memref<!tpu.dma_semaphore, #tpu.memory_space<semaphore_mem>>)
    %rem3A_226 = arith.constant 2 : i32
    %rem3A_227 = arith.constant 4 : i32
    %rem3A_228 = arith.remsi %rem3A_226, %rem3A_227 : i32
    %div3A_229 = arith.constant 2 : i32
    %div3A_230 = arith.constant 2 : i32
    %div3A_231 = arith.divsi %div3A_229, %div3A_230 : i32
    %rem3A_232 = arith.constant 8 : i32
    %rem3A_233 = arith.remsi %div3A_231, %rem3A_232 : i32
    %rem3A_234 = arith.constant 2 : i32
    %rem3A_235 = arith.constant 2 : i32
    %rem3A_236 = arith.remsi %rem3A_234, %rem3A_235 : i32
    %mul3A_237 = arith.constant 64 : i32
    %mul3A_238 = arith.muli %rem3A_236, %mul3A_237 : i32
    %dma_start3A_239 = arith.constant 0 : i32
    %dma_start3A_240 = arith.constant 0 : i32
    %dma_start3A_241 = arith.constant 0 : i32
    %dma_start3A_242 = tpu.memref_slice %arg8[%rem3A_228, %dma_start3A_240, %dma_start3A_241] : memref<4x64x128xf32, #tpu.memory_space<vmem>> -> memref<1x64x128xf32, #tpu.memory_space<vmem>>
    %dma_start3A_243 = tpu.memref_squeeze %dma_start3A_242 : memref<1x64x128xf32, #tpu.memory_space<vmem>> -> memref<64x128xf32, #tpu.memory_space<vmem>>
    %dma_start3A_244 = tpu.memref_slice %arg7[%rem3A_233, %dma_start3A_239, %mul3A_238] : memref<8x2x128xi32, #tpu.memory_space<vmem>> -> memref<1x1x64xi32, #tpu.memory_space<vmem>>
    %dma_start3A_245 = tpu.memref_squeeze %dma_start3A_244 : memref<1x1x64xi32, #tpu.memory_space<vmem>> -> memref<64xi32, #tpu.memory_space<vmem>>
    %dma_start3A_246 = arith.constant 0 : i32
    %dma_start3A_247 = arith.constant 0 : i32
    %dma_start3A_248 = tpu.memref_slice %arg2[%dma_start3A_246, %dma_start3A_247] : memref<10000x128xf32, #tpu.memory_space<hbm>> -> memref<10000x128xf32, #tpu.memory_space<hbm>>
    %dma_start3A_249 = tpu.memref_slice %arg13[%rem3A_228] : memref<4x!tpu.dma_semaphore, #tpu.memory_space<semaphore_mem>> -> memref<1x!tpu.dma_semaphore, #tpu.memory_space<semaphore_mem>>
    %dma_start3A_250 = tpu.memref_squeeze %dma_start3A_249 : memref<1x!tpu.dma_semaphore, #tpu.memory_space<semaphore_mem>> -> memref<!tpu.dma_semaphore, #tpu.memory_space<semaphore_mem>>
    tpu.enqueue_indirect_dma source(%dma_start3A_248 : memref<10000x128xf32, #tpu.memory_space<hbm>>) target(%dma_start3A_243 : memref<64x128xf32, #tpu.memory_space<vmem>>) offsets(%dma_start3A_245 : memref<64xi32, #tpu.memory_space<vmem>>) semaphore(%dma_start3A_250 : memref<!tpu.dma_semaphore, #tpu.memory_space<semaphore_mem>>)
    %sub3A_251 = arith.constant 0 : i32
    %sub3A_252 = arith.subi %add3A_5, %sub3A_251 : i32
    %sub3A_253 = arith.constant 1 : i32
    %sub3A_254 = arith.constant 1 : i32
    %sub3A_255 = arith.subi %sub3A_253, %sub3A_254 : i32
    %add3A_256 = arith.addi %sub3A_252, %sub3A_255 : i32
    %div3A_257 = arith.constant 1 : i32
    %div3A_258 = arith.divsi %add3A_256, %div3A_257 : i32
    %while3A = arith.constant 1 : i32
    %while3A_259 = arith.constant 0 : i32
    %while3A_260 = arith.constant 0 : i32
    %while3A_261 = arith.subi %div3A_258, %while3A_260 : i32
    %while3A_262 = arith.addi %while3A_260, %while3A_261 : i32
    %while3A_263 = arith.constant 1 : i32
    %while3A_264 = arith.divsi %while3A_261, %while3A_263 : i32
    %while3A_265 = arith.muli %while3A_264, %while3A_263 : i32
    %while3A_266 = arith.addi %while3A_260, %while3A_265 : i32
    %while3A_267 = arith.constant 1 : i32
    scf.for %while3A_346 = %while3A_260 to %while3A_266 step %while3A_267  : i32 {
      %mul3A_347 = arith.muli %while3A_346, %while3A : i32
      %add3A_348 = arith.addi %while3A_259, %mul3A_347 : i32
      %add3A_349 = arith.constant 4 : i32
      %add3A_350 = arith.addi %add3A_348, %add3A_349 : i32
      %sub3A_351 = arith.constant 1 : i32
      %sub3A_352 = arith.subi %add3A_350, %sub3A_351 : i32
      %lt3A_353 = arith.cmpi slt, %sub3A_352, %add3A_5 : i32
      %convert_element_type3A_354 = arith.extui %lt3A_353 : i1 to i32
      %cond3A = arith.constant 0 : i32
      %cond3A_355 = arith.cmpi ne, %convert_element_type3A_354, %cond3A : i32
      scf.if %cond3A_355 {
        %ge3A = arith.constant 1 : i32
        %ge3A_440 = arith.cmpi sge, %add3A_348, %ge3A : i32
        %convert_element_type3A_441 = arith.extui %ge3A_440 : i1 to i32
        %cond3A_442 = arith.constant 0 : i32
        %cond3A_443 = arith.cmpi ne, %convert_element_type3A_441, %cond3A_442 : i32
        scf.if %cond3A_443 {
          %sub3A_477 = arith.constant 1 : i32
          %sub3A_478 = arith.subi %add3A_348, %sub3A_477 : i32
          %rem3A_479 = arith.constant 4 : i32
          %rem3A_480 = arith.remsi %sub3A_478, %rem3A_479 : i32
          %dma_wait3A_481 = arith.constant 0 : i32
          %dma_wait3A_482 = arith.constant 0 : i32
          %dma_wait3A_483 = tpu.memref_slice %arg8[%rem3A_480, %dma_wait3A_481, %dma_wait3A_482] : memref<4x64x128xf32, #tpu.memory_space<vmem>> -> memref<1x64x128xf32, #tpu.memory_space<vmem>>
          %dma_wait3A_484 = tpu.memref_squeeze %dma_wait3A_483 : memref<1x64x128xf32, #tpu.memory_space<vmem>> -> memref<64x128xf32, #tpu.memory_space<vmem>>
          %dma_wait3A_485 = arith.constant 0 : i32
          %dma_wait3A_486 = tpu.memref_slice %arg9[%rem3A_480, %dma_wait3A_485] : memref<4x64xi32, #tpu.memory_space<vmem>> -> memref<1x64xi32, #tpu.memory_space<vmem>>
          %dma_wait3A_487 = tpu.memref_squeeze %dma_wait3A_486 : memref<1x64xi32, #tpu.memory_space<vmem>> -> memref<64xi32, #tpu.memory_space<vmem>>
          %dma_wait3A_488 = arith.constant 0 : i32
          %dma_wait3A_489 = arith.constant 0 : i32
          %dma_wait3A_490 = tpu.memref_slice %arg11[%dma_wait3A_488, %dma_wait3A_489] : memref<10000x128xf32, #tpu.memory_space<vmem_shared>> -> memref<10000x128xf32, #tpu.memory_space<vmem_shared>>
          %dma_wait3A_491 = tpu.memref_slice %arg14[%rem3A_480] : memref<4x!tpu.dma_semaphore, #tpu.memory_space<semaphore_mem>> -> memref<1x!tpu.dma_semaphore, #tpu.memory_space<semaphore_mem>>
          %dma_wait3A_492 = tpu.memref_squeeze %dma_wait3A_491 : memref<1x!tpu.dma_semaphore, #tpu.memory_space<semaphore_mem>> -> memref<!tpu.dma_semaphore, #tpu.memory_space<semaphore_mem>>
          tpu.wait_indirect_dma semaphore(%dma_wait3A_492 : memref<!tpu.dma_semaphore, #tpu.memory_space<semaphore_mem>>) src(%dma_wait3A_484 : memref<64x128xf32, #tpu.memory_space<vmem>>) dst(%dma_wait3A_490 : memref<10000x128xf32, #tpu.memory_space<vmem_shared>>)
        } else {
        }
        %div3A_444 = arith.constant 2 : i32
        %div3A_445 = arith.divsi %sub3A_352, %div3A_444 : i32
        %rem3A_446 = arith.constant 2 : i32
        %rem3A_447 = arith.remsi %sub3A_352, %rem3A_446 : i32
        %eq3A = arith.constant 0 : i32
        %eq3A_448 = arith.cmpi eq, %rem3A_447, %eq3A : i32
        %ge3A_449 = arith.constant 2 : i32
        %ge3A_450 = arith.cmpi sge, %div3A_445, %ge3A_449 : i32
        %and3A_451 = arith.andi %eq3A_448, %ge3A_450 : i1
        %convert_element_type3A_452 = arith.extui %and3A_451 : i1 to i32
        %cond3A_453 = arith.constant 0 : i32
        %cond3A_454 = arith.cmpi ne, %convert_element_type3A_452, %cond3A_453 : i32
        scf.if %cond3A_454 {
          %rem3A_477 = arith.constant 8 : i32
          %rem3A_478 = arith.remsi %div3A_445, %rem3A_477 : i32
          %add3A_479 = arith.addi %select_n3A, %div3A_445 : i32
          %mul3A_480 = arith.constant 2 : i32
          %mul3A_481 = arith.muli %add3A_479, %mul3A_480 : i32
          %mul3A_482 = arith.constant 64 : i32
          %mul3A_483 = arith.muli %mul3A_481, %mul3A_482 : i32
          %dma_wait3A_484 = arith.constant 0 : i32
          %dma_wait3A_485 = arith.constant 0 : i32
          %dma_wait3A_486 = tpu.memref_slice %arg7[%rem3A_478, %dma_wait3A_484, %dma_wait3A_485] : memref<8x2x128xi32, #tpu.memory_space<vmem>> -> memref<1x2x128xi32, #tpu.memory_space<vmem>>
          %dma_wait3A_487 = tpu.memref_squeeze %dma_wait3A_486 : memref<1x2x128xi32, #tpu.memory_space<vmem>> -> memref<2x128xi32, #tpu.memory_space<vmem>>
          %dma_wait3A_488 = arith.constant 0 : i32
          %dma_wait3A_489 = tpu.memref_slice %arg3[%dma_wait3A_488, %mul3A_483] : memref<2x320000xi32, #tpu.memory_space<hbm>> -> memref<2x128xi32, #tpu.memory_space<hbm>>
          %dma_wait3A_490 = tpu.memref_slice %arg12[%rem3A_478] : memref<8x!tpu.dma_semaphore, #tpu.memory_space<semaphore_mem>> -> memref<1x!tpu.dma_semaphore, #tpu.memory_space<semaphore_mem>>
          %dma_wait3A_491 = tpu.memref_squeeze %dma_wait3A_490 : memref<1x!tpu.dma_semaphore, #tpu.memory_space<semaphore_mem>> -> memref<!tpu.dma_semaphore, #tpu.memory_space<semaphore_mem>>
          %dma_wait3A_492 = arith.constant 0 : i32
          %dma_wait3A_493 = arith.constant 0 : i32
          %dma_wait3A_494 = tpu.memref_slice %arg7[%rem3A_478, %dma_wait3A_492, %dma_wait3A_493] : memref<8x2x128xi32, #tpu.memory_space<vmem>> -> memref<1x2x128xi32, #tpu.memory_space<vmem>>
          %dma_wait3A_495 = tpu.memref_squeeze %dma_wait3A_494 : memref<1x2x128xi32, #tpu.memory_space<vmem>> -> memref<2x128xi32, #tpu.memory_space<vmem>>
          %dma_wait3A_496 = arith.constant 0 : i32
          %dma_wait3A_497 = tpu.memref_slice %arg3[%dma_wait3A_496, %mul3A_483] : memref<2x320000xi32, #tpu.memory_space<hbm>> -> memref<2x128xi32, #tpu.memory_space<hbm>>
          tpu.wait_dma2 semaphore(%dma_wait3A_491 : memref<!tpu.dma_semaphore, #tpu.memory_space<semaphore_mem>>) src(%dma_wait3A_497 : memref<2x128xi32, #tpu.memory_space<hbm>>) dst(%dma_wait3A_495 : memref<2x128xi32, #tpu.memory_space<vmem>>)
          %add3A_498 = arith.constant 4 : i32
          %add3A_499 = arith.addi %div3A_445, %add3A_498 : i32
          %sub3A_500 = arith.constant 2 : i32
          %sub3A_501 = arith.subi %add3A_499, %sub3A_500 : i32
          %mul3A_502 = arith.constant 2 : i32
          %mul3A_503 = arith.muli %mul3A_502, %sub3A_501 : i32
          %lt3A_504 = arith.cmpi slt, %mul3A_503, %add3A_5 : i32
          %convert_element_type3A_505 = arith.extui %lt3A_504 : i1 to i32
          %cond3A_506 = arith.constant 0 : i32
          %cond3A_507 = arith.cmpi ne, %convert_element_type3A_505, %cond3A_506 : i32
          scf.if %cond3A_507 {
            %rem3A_508 = arith.constant 8 : i32
            %rem3A_509 = arith.remsi %sub3A_501, %rem3A_508 : i32
            %add3A_510 = arith.addi %select_n3A, %sub3A_501 : i32
            %mul3A_511 = arith.constant 2 : i32
            %mul3A_512 = arith.muli %add3A_510, %mul3A_511 : i32
            %mul3A_513 = arith.constant 64 : i32
            %mul3A_514 = arith.muli %mul3A_512, %mul3A_513 : i32
            %dma_start3A_515 = arith.constant 0 : i32
            %dma_start3A_516 = arith.constant 0 : i32
            %dma_start3A_517 = tpu.memref_slice %arg7[%rem3A_509, %dma_start3A_515, %dma_start3A_516] : memref<8x2x128xi32, #tpu.memory_space<vmem>> -> memref<1x2x128xi32, #tpu.memory_space<vmem>>
            %dma_start3A_518 = tpu.memref_squeeze %dma_start3A_517 : memref<1x2x128xi32, #tpu.memory_space<vmem>> -> memref<2x128xi32, #tpu.memory_space<vmem>>
            %dma_start3A_519 = arith.constant 0 : i32
            %dma_start3A_520 = tpu.memref_slice %arg3[%dma_start3A_519, %mul3A_514] : memref<2x320000xi32, #tpu.memory_space<hbm>> -> memref<2x128xi32, #tpu.memory_space<hbm>>
            %dma_start3A_521 = tpu.memref_slice %arg12[%rem3A_509] : memref<8x!tpu.dma_semaphore, #tpu.memory_space<semaphore_mem>> -> memref<1x!tpu.dma_semaphore, #tpu.memory_space<semaphore_mem>>
            %dma_start3A_522 = tpu.memref_squeeze %dma_start3A_521 : memref<1x!tpu.dma_semaphore, #tpu.memory_space<semaphore_mem>> -> memref<!tpu.dma_semaphore, #tpu.memory_space<semaphore_mem>>
            %dma_start3A_523 = arith.constant 0 : i32
            %dma_start3A_524 = arith.constant 0 : i32
            %dma_start3A_525 = tpu.memref_slice %arg7[%rem3A_509, %dma_start3A_523, %dma_start3A_524] : memref<8x2x128xi32, #tpu.memory_space<vmem>> -> memref<1x2x128xi32, #tpu.memory_space<vmem>>
            %dma_start3A_526 = tpu.memref_squeeze %dma_start3A_525 : memref<1x2x128xi32, #tpu.memory_space<vmem>> -> memref<2x128xi32, #tpu.memory_space<vmem>>
            %dma_start3A_527 = arith.constant 0 : i32
            %dma_start3A_528 = tpu.memref_slice %arg3[%dma_start3A_527, %mul3A_514] : memref<2x320000xi32, #tpu.memory_space<hbm>> -> memref<2x128xi32, #tpu.memory_space<hbm>>
            tpu.enqueue_dma source(%dma_start3A_528 : memref<2x128xi32, #tpu.memory_space<hbm>>) target(%dma_start3A_526 : memref<2x128xi32, #tpu.memory_space<vmem>>) target_semaphore(%dma_start3A_522 : memref<!tpu.dma_semaphore, #tpu.memory_space<semaphore_mem>>)
          } else {
          }
        } else {
        }
        %rem3A_455 = arith.constant 4 : i32
        %rem3A_456 = arith.remsi %sub3A_352, %rem3A_455 : i32
        %div3A_457 = arith.constant 2 : i32
        %div3A_458 = arith.divsi %sub3A_352, %div3A_457 : i32
        %rem3A_459 = arith.constant 8 : i32
        %rem3A_460 = arith.remsi %div3A_458, %rem3A_459 : i32
        %rem3A_461 = arith.constant 2 : i32
        %rem3A_462 = arith.remsi %sub3A_352, %rem3A_461 : i32
        %mul3A_463 = arith.constant 64 : i32
        %mul3A_464 = arith.muli %rem3A_462, %mul3A_463 : i32
        %dma_start3A_465 = arith.constant 0 : i32
        %dma_start3A_466 = arith.constant 0 : i32
        %dma_start3A_467 = arith.constant 0 : i32
        %dma_start3A_468 = tpu.memref_slice %arg8[%rem3A_456, %dma_start3A_466, %dma_start3A_467] : memref<4x64x128xf32, #tpu.memory_space<vmem>> -> memref<1x64x128xf32, #tpu.memory_space<vmem>>
        %dma_start3A_469 = tpu.memref_squeeze %dma_start3A_468 : memref<1x64x128xf32, #tpu.memory_space<vmem>> -> memref<64x128xf32, #tpu.memory_space<vmem>>
        %dma_start3A_470 = tpu.memref_slice %arg7[%rem3A_460, %dma_start3A_465, %mul3A_464] : memref<8x2x128xi32, #tpu.memory_space<vmem>> -> memref<1x1x64xi32, #tpu.memory_space<vmem>>
        %dma_start3A_471 = tpu.memref_squeeze %dma_start3A_470 : memref<1x1x64xi32, #tpu.memory_space<vmem>> -> memref<64xi32, #tpu.memory_space<vmem>>
        %dma_start3A_472 = arith.constant 0 : i32
        %dma_start3A_473 = arith.constant 0 : i32
        %dma_start3A_474 = tpu.memref_slice %arg2[%dma_start3A_472, %dma_start3A_473] : memref<10000x128xf32, #tpu.memory_space<hbm>> -> memref<10000x128xf32, #tpu.memory_space<hbm>>
        %dma_start3A_475 = tpu.memref_slice %arg13[%rem3A_456] : memref<4x!tpu.dma_semaphore, #tpu.memory_space<semaphore_mem>> -> memref<1x!tpu.dma_semaphore, #tpu.memory_space<semaphore_mem>>
        %dma_start3A_476 = tpu.memref_squeeze %dma_start3A_475 : memref<1x!tpu.dma_semaphore, #tpu.memory_space<semaphore_mem>> -> memref<!tpu.dma_semaphore, #tpu.memory_space<semaphore_mem>>
        tpu.enqueue_indirect_dma source(%dma_start3A_474 : memref<10000x128xf32, #tpu.memory_space<hbm>>) target(%dma_start3A_469 : memref<64x128xf32, #tpu.memory_space<vmem>>) offsets(%dma_start3A_471 : memref<64xi32, #tpu.memory_space<vmem>>) semaphore(%dma_start3A_476 : memref<!tpu.dma_semaphore, #tpu.memory_space<semaphore_mem>>)
      } else {
      }
      %rem3A_356 = arith.constant 4 : i32
      %rem3A_357 = arith.remsi %add3A_348, %rem3A_356 : i32
      %div3A_358 = arith.constant 2 : i32
      %div3A_359 = arith.divsi %add3A_348, %div3A_358 : i32
      %rem3A_360 = arith.constant 8 : i32
      %rem3A_361 = arith.remsi %div3A_359, %rem3A_360 : i32
      %rem3A_362 = arith.constant 2 : i32
      %rem3A_363 = arith.remsi %add3A_348, %rem3A_362 : i32
      %mul3A_364 = arith.constant 64 : i32
      %mul3A_365 = arith.muli %rem3A_363, %mul3A_364 : i32
      %dma_wait3A_366 = arith.constant 0 : i32
      %dma_wait3A_367 = arith.constant 0 : i32
      %dma_wait3A_368 = arith.constant 0 : i32
      %dma_wait3A_369 = tpu.memref_slice %arg8[%rem3A_357, %dma_wait3A_367, %dma_wait3A_368] : memref<4x64x128xf32, #tpu.memory_space<vmem>> -> memref<1x64x128xf32, #tpu.memory_space<vmem>>
      %dma_wait3A_370 = tpu.memref_squeeze %dma_wait3A_369 : memref<1x64x128xf32, #tpu.memory_space<vmem>> -> memref<64x128xf32, #tpu.memory_space<vmem>>
      %dma_wait3A_371 = tpu.memref_slice %arg7[%rem3A_361, %dma_wait3A_366, %mul3A_365] : memref<8x2x128xi32, #tpu.memory_space<vmem>> -> memref<1x1x64xi32, #tpu.memory_space<vmem>>
      %dma_wait3A_372 = tpu.memref_squeeze %dma_wait3A_371 : memref<1x1x64xi32, #tpu.memory_space<vmem>> -> memref<64xi32, #tpu.memory_space<vmem>>
      %dma_wait3A_373 = arith.constant 0 : i32
      %dma_wait3A_374 = arith.constant 0 : i32
      %dma_wait3A_375 = tpu.memref_slice %arg2[%dma_wait3A_373, %dma_wait3A_374] : memref<10000x128xf32, #tpu.memory_space<hbm>> -> memref<10000x128xf32, #tpu.memory_space<hbm>>
      %dma_wait3A_376 = tpu.memref_slice %arg13[%rem3A_357] : memref<4x!tpu.dma_semaphore, #tpu.memory_space<semaphore_mem>> -> memref<1x!tpu.dma_semaphore, #tpu.memory_space<semaphore_mem>>
      %dma_wait3A_377 = tpu.memref_squeeze %dma_wait3A_376 : memref<1x!tpu.dma_semaphore, #tpu.memory_space<semaphore_mem>> -> memref<!tpu.dma_semaphore, #tpu.memory_space<semaphore_mem>>
      tpu.wait_indirect_dma semaphore(%dma_wait3A_377 : memref<!tpu.dma_semaphore, #tpu.memory_space<semaphore_mem>>) src(%dma_wait3A_375 : memref<10000x128xf32, #tpu.memory_space<hbm>>) dst(%dma_wait3A_370 : memref<64x128xf32, #tpu.memory_space<vmem>>)
      %rem3A_378 = arith.constant 4 : i32
      %rem3A_379 = arith.remsi %add3A_348, %rem3A_378 : i32
      %div3A_380 = arith.constant 2 : i32
      %div3A_381 = arith.divsi %add3A_348, %div3A_380 : i32
      %rem3A_382 = arith.constant 8 : i32
      %rem3A_383 = arith.remsi %div3A_381, %rem3A_382 : i32
      %rem3A_384 = arith.constant 2 : i32
      %rem3A_385 = arith.remsi %add3A_348, %rem3A_384 : i32
      %mul3A_386 = arith.constant 64 : i32
      %mul3A_387 = arith.muli %rem3A_385, %mul3A_386 : i32
      %add3A_388 = arith.constant 0 : i32
      %add3A_389 = arith.addi %mul3A_387, %add3A_388 : i32
      %get3A = arith.constant 1 : i32
      %get3A_390 = arith.index_cast %rem3A_383 : i32 to index
      %get3A_391 = arith.index_cast %get3A : i32 to index
      %get3A_392 = arith.index_cast %add3A_389 : i32 to index
      %get3A_393 = tpu.vector_load %arg7[%get3A_390, %get3A_391, %get3A_392] {strides = array<i32>} : memref<8x2x128xi32, #tpu.memory_space<vmem>>, vector<16xi32>,
      %swap3A = arith.index_cast %rem3A_379 : i32 to index
      %swap3A_394 = arith.constant 0 : index
      %swap3A_395 = tpu.vector_load %arg9[%swap3A, %swap3A_394] {strides = array<i32>} : memref<4x64xi32, #tpu.memory_space<vmem>>, vector<16xi32>,
      tpu.vector_store %arg9[%swap3A, %swap3A_394], %get3A_393 {strides = array<i32>} : memref<4x64xi32, #tpu.memory_space<vmem>>, vector<16xi32>,
      tpu.vector_store_idx %arg10[%get3A_393], %broadcast_in_dim3A_39 {add = true} : memref<10000xf32, #tpu.memory_space<vmem>>[vector<16xi32>], vector<16xf32>,
      %add3A_396 = arith.constant 16 : i32
      %add3A_397 = arith.addi %mul3A_387, %add3A_396 : i32
      %get3A_398 = arith.constant 1 : i32
      %get3A_399 = arith.index_cast %rem3A_383 : i32 to index
      %get3A_400 = arith.index_cast %get3A_398 : i32 to index
      %get3A_401 = arith.index_cast %add3A_397 : i32 to index
      %get3A_402 = tpu.vector_load %arg7[%get3A_399, %get3A_400, %get3A_401] {strides = array<i32>} : memref<8x2x128xi32, #tpu.memory_space<vmem>>, vector<16xi32>,
      %swap3A_403 = arith.index_cast %rem3A_379 : i32 to index
      %swap3A_404 = arith.constant 16 : index
      %swap3A_405 = tpu.vector_load %arg9[%swap3A_403, %swap3A_404] {strides = array<i32>} : memref<4x64xi32, #tpu.memory_space<vmem>>, vector<16xi32>,
      tpu.vector_store %arg9[%swap3A_403, %swap3A_404], %get3A_402 {strides = array<i32>} : memref<4x64xi32, #tpu.memory_space<vmem>>, vector<16xi32>,
      tpu.vector_store_idx %arg10[%get3A_402], %broadcast_in_dim3A_39 {add = true} : memref<10000xf32, #tpu.memory_space<vmem>>[vector<16xi32>], vector<16xf32>,
      %add3A_406 = arith.constant 32 : i32
      %add3A_407 = arith.addi %mul3A_387, %add3A_406 : i32
      %get3A_408 = arith.constant 1 : i32
      %get3A_409 = arith.index_cast %rem3A_383 : i32 to index
      %get3A_410 = arith.index_cast %get3A_408 : i32 to index
      %get3A_411 = arith.index_cast %add3A_407 : i32 to index
      %get3A_412 = tpu.vector_load %arg7[%get3A_409, %get3A_410, %get3A_411] {strides = array<i32>} : memref<8x2x128xi32, #tpu.memory_space<vmem>>, vector<16xi32>,
      %swap3A_413 = arith.index_cast %rem3A_379 : i32 to index
      %swap3A_414 = arith.constant 32 : index
      %swap3A_415 = tpu.vector_load %arg9[%swap3A_413, %swap3A_414] {strides = array<i32>} : memref<4x64xi32, #tpu.memory_space<vmem>>, vector<16xi32>,
      tpu.vector_store %arg9[%swap3A_413, %swap3A_414], %get3A_412 {strides = array<i32>} : memref<4x64xi32, #tpu.memory_space<vmem>>, vector<16xi32>,
      tpu.vector_store_idx %arg10[%get3A_412], %broadcast_in_dim3A_39 {add = true} : memref<10000xf32, #tpu.memory_space<vmem>>[vector<16xi32>], vector<16xf32>,
      %add3A_416 = arith.constant 48 : i32
      %add3A_417 = arith.addi %mul3A_387, %add3A_416 : i32
      %get3A_418 = arith.constant 1 : i32
      %get3A_419 = arith.index_cast %rem3A_383 : i32 to index
      %get3A_420 = arith.index_cast %get3A_418 : i32 to index
      %get3A_421 = arith.index_cast %add3A_417 : i32 to index
      %get3A_422 = tpu.vector_load %arg7[%get3A_419, %get3A_420, %get3A_421] {strides = array<i32>} : memref<8x2x128xi32, #tpu.memory_space<vmem>>, vector<16xi32>,
      %swap3A_423 = arith.index_cast %rem3A_379 : i32 to index
      %swap3A_424 = arith.constant 48 : index
      %swap3A_425 = tpu.vector_load %arg9[%swap3A_423, %swap3A_424] {strides = array<i32>} : memref<4x64xi32, #tpu.memory_space<vmem>>, vector<16xi32>,
      tpu.vector_store %arg9[%swap3A_423, %swap3A_424], %get3A_422 {strides = array<i32>} : memref<4x64xi32, #tpu.memory_space<vmem>>, vector<16xi32>,
      tpu.vector_store_idx %arg10[%get3A_422], %broadcast_in_dim3A_39 {add = true} : memref<10000xf32, #tpu.memory_space<vmem>>[vector<16xi32>], vector<16xf32>,
      %rem3A_426 = arith.constant 4 : i32
      %rem3A_427 = arith.remsi %add3A_348, %rem3A_426 : i32
      %dma_start3A_428 = arith.constant 0 : i32
      %dma_start3A_429 = arith.constant 0 : i32
      %dma_start3A_430 = tpu.memref_slice %arg8[%rem3A_427, %dma_start3A_428, %dma_start3A_429] : memref<4x64x128xf32, #tpu.memory_space<vmem>> -> memref<1x64x128xf32, #tpu.memory_space<vmem>>
      %dma_start3A_431 = tpu.memref_squeeze %dma_start3A_430 : memref<1x64x128xf32, #tpu.memory_space<vmem>> -> memref<64x128xf32, #tpu.memory_space<vmem>>
      %dma_start3A_432 = arith.constant 0 : i32
      %dma_start3A_433 = tpu.memref_slice %arg9[%rem3A_427, %dma_start3A_432] : memref<4x64xi32, #tpu.memory_space<vmem>> -> memref<1x64xi32, #tpu.memory_space<vmem>>
      %dma_start3A_434 = tpu.memref_squeeze %dma_start3A_433 : memref<1x64xi32, #tpu.memory_space<vmem>> -> memref<64xi32, #tpu.memory_space<vmem>>
      %dma_start3A_435 = arith.constant 0 : i32
      %dma_start3A_436 = arith.constant 0 : i32
      %dma_start3A_437 = tpu.memref_slice %arg11[%dma_start3A_435, %dma_start3A_436] : memref<10000x128xf32, #tpu.memory_space<vmem_shared>> -> memref<10000x128xf32, #tpu.memory_space<vmem_shared>>
      %dma_start3A_438 = tpu.memref_slice %arg14[%rem3A_427] : memref<4x!tpu.dma_semaphore, #tpu.memory_space<semaphore_mem>> -> memref<1x!tpu.dma_semaphore, #tpu.memory_space<semaphore_mem>>
      %dma_start3A_439 = tpu.memref_squeeze %dma_start3A_438 : memref<1x!tpu.dma_semaphore, #tpu.memory_space<semaphore_mem>> -> memref<!tpu.dma_semaphore, #tpu.memory_space<semaphore_mem>>
      tpu.enqueue_indirect_dma source(%dma_start3A_431 : memref<64x128xf32, #tpu.memory_space<vmem>>) target(%dma_start3A_437 : memref<10000x128xf32, #tpu.memory_space<vmem_shared>>) offsets(%dma_start3A_434 : memref<64xi32, #tpu.memory_space<vmem>>) semaphore(%dma_start3A_439 : memref<!tpu.dma_semaphore, #tpu.memory_space<semaphore_mem>>) {add = true}
    }
    %while3A_268 = arith.constant 1 : i32
    scf.for %while3A_346 = %while3A_266 to %while3A_262 step %while3A_268  : i32 {
      %mul3A_347 = arith.muli %while3A_346, %while3A : i32
      %add3A_348 = arith.addi %while3A_259, %mul3A_347 : i32
      %add3A_349 = arith.constant 4 : i32
      %add3A_350 = arith.addi %add3A_348, %add3A_349 : i32
      %sub3A_351 = arith.constant 1 : i32
      %sub3A_352 = arith.subi %add3A_350, %sub3A_351 : i32
      %lt3A_353 = arith.cmpi slt, %sub3A_352, %add3A_5 : i32
      %convert_element_type3A_354 = arith.extui %lt3A_353 : i1 to i32
      %cond3A = arith.constant 0 : i32
      %cond3A_355 = arith.cmpi ne, %convert_element_type3A_354, %cond3A : i32
      scf.if %cond3A_355 {
        %ge3A = arith.constant 1 : i32
        %ge3A_440 = arith.cmpi sge, %add3A_348, %ge3A : i32
        %convert_element_type3A_441 = arith.extui %ge3A_440 : i1 to i32
        %cond3A_442 = arith.constant 0 : i32
        %cond3A_443 = arith.cmpi ne, %convert_element_type3A_441, %cond3A_442 : i32
        scf.if %cond3A_443 {
          %sub3A_477 = arith.constant 1 : i32
          %sub3A_478 = arith.subi %add3A_348, %sub3A_477 : i32
          %rem3A_479 = arith.constant 4 : i32
          %rem3A_480 = arith.remsi %sub3A_478, %rem3A_479 : i32
          %dma_wait3A_481 = arith.constant 0 : i32
          %dma_wait3A_482 = arith.constant 0 : i32
          %dma_wait3A_483 = tpu.memref_slice %arg8[%rem3A_480, %dma_wait3A_481, %dma_wait3A_482] : memref<4x64x128xf32, #tpu.memory_space<vmem>> -> memref<1x64x128xf32, #tpu.memory_space<vmem>>
          %dma_wait3A_484 = tpu.memref_squeeze %dma_wait3A_483 : memref<1x64x128xf32, #tpu.memory_space<vmem>> -> memref<64x128xf32, #tpu.memory_space<vmem>>
          %dma_wait3A_485 = arith.constant 0 : i32
          %dma_wait3A_486 = tpu.memref_slice %arg9[%rem3A_480, %dma_wait3A_485] : memref<4x64xi32, #tpu.memory_space<vmem>> -> memref<1x64xi32, #tpu.memory_space<vmem>>
          %dma_wait3A_487 = tpu.memref_squeeze %dma_wait3A_486 : memref<1x64xi32, #tpu.memory_space<vmem>> -> memref<64xi32, #tpu.memory_space<vmem>>
          %dma_wait3A_488 = arith.constant 0 : i32
          %dma_wait3A_489 = arith.constant 0 : i32
          %dma_wait3A_490 = tpu.memref_slice %arg11[%dma_wait3A_488, %dma_wait3A_489] : memref<10000x128xf32, #tpu.memory_space<vmem_shared>> -> memref<10000x128xf32, #tpu.memory_space<vmem_shared>>
          %dma_wait3A_491 = tpu.memref_slice %arg14[%rem3A_480] : memref<4x!tpu.dma_semaphore, #tpu.memory_space<semaphore_mem>> -> memref<1x!tpu.dma_semaphore, #tpu.memory_space<semaphore_mem>>
          %dma_wait3A_492 = tpu.memref_squeeze %dma_wait3A_491 : memref<1x!tpu.dma_semaphore, #tpu.memory_space<semaphore_mem>> -> memref<!tpu.dma_semaphore, #tpu.memory_space<semaphore_mem>>
          tpu.wait_indirect_dma semaphore(%dma_wait3A_492 : memref<!tpu.dma_semaphore, #tpu.memory_space<semaphore_mem>>) src(%dma_wait3A_484 : memref<64x128xf32, #tpu.memory_space<vmem>>) dst(%dma_wait3A_490 : memref<10000x128xf32, #tpu.memory_space<vmem_shared>>)
        } else {
        }
        %div3A_444 = arith.constant 2 : i32
        %div3A_445 = arith.divsi %sub3A_352, %div3A_444 : i32
        %rem3A_446 = arith.constant 2 : i32
        %rem3A_447 = arith.remsi %sub3A_352, %rem3A_446 : i32
        %eq3A = arith.constant 0 : i32
        %eq3A_448 = arith.cmpi eq, %rem3A_447, %eq3A : i32
        %ge3A_449 = arith.constant 2 : i32
        %ge3A_450 = arith.cmpi sge, %div3A_445, %ge3A_449 : i32
        %and3A_451 = arith.andi %eq3A_448, %ge3A_450 : i1
        %convert_element_type3A_452 = arith.extui %and3A_451 : i1 to i32
        %cond3A_453 = arith.constant 0 : i32
        %cond3A_454 = arith.cmpi ne, %convert_element_type3A_452, %cond3A_453 : i32
        scf.if %cond3A_454 {
          %rem3A_477 = arith.constant 8 : i32
          %rem3A_478 = arith.remsi %div3A_445, %rem3A_477 : i32
          %add3A_479 = arith.addi %select_n3A, %div3A_445 : i32
          %mul3A_480 = arith.constant 2 : i32
          %mul3A_481 = arith.muli %add3A_479, %mul3A_480 : i32
          %mul3A_482 = arith.constant 64 : i32
          %mul3A_483 = arith.muli %mul3A_481, %mul3A_482 : i32
          %dma_wait3A_484 = arith.constant 0 : i32
          %dma_wait3A_485 = arith.constant 0 : i32
          %dma_wait3A_486 = tpu.memref_slice %arg7[%rem3A_478, %dma_wait3A_484, %dma_wait3A_485] : memref<8x2x128xi32, #tpu.memory_space<vmem>> -> memref<1x2x128xi32, #tpu.memory_space<vmem>>
          %dma_wait3A_487 = tpu.memref_squeeze %dma_wait3A_486 : memref<1x2x128xi32, #tpu.memory_space<vmem>> -> memref<2x128xi32, #tpu.memory_space<vmem>>
          %dma_wait3A_488 = arith.constant 0 : i32
          %dma_wait3A_489 = tpu.memref_slice %arg3[%dma_wait3A_488, %mul3A_483] : memref<2x320000xi32, #tpu.memory_space<hbm>> -> memref<2x128xi32, #tpu.memory_space<hbm>>
          %dma_wait3A_490 = tpu.memref_slice %arg12[%rem3A_478] : memref<8x!tpu.dma_semaphore, #tpu.memory_space<semaphore_mem>> -> memref<1x!tpu.dma_semaphore, #tpu.memory_space<semaphore_mem>>
          %dma_wait3A_491 = tpu.memref_squeeze %dma_wait3A_490 : memref<1x!tpu.dma_semaphore, #tpu.memory_space<semaphore_mem>> -> memref<!tpu.dma_semaphore, #tpu.memory_space<semaphore_mem>>
          %dma_wait3A_492 = arith.constant 0 : i32
          %dma_wait3A_493 = arith.constant 0 : i32
          %dma_wait3A_494 = tpu.memref_slice %arg7[%rem3A_478, %dma_wait3A_492, %dma_wait3A_493] : memref<8x2x128xi32, #tpu.memory_space<vmem>> -> memref<1x2x128xi32, #tpu.memory_space<vmem>>
          %dma_wait3A_495 = tpu.memref_squeeze %dma_wait3A_494 : memref<1x2x128xi32, #tpu.memory_space<vmem>> -> memref<2x128xi32, #tpu.memory_space<vmem>>
          %dma_wait3A_496 = arith.constant 0 : i32
          %dma_wait3A_497 = tpu.memref_slice %arg3[%dma_wait3A_496, %mul3A_483] : memref<2x320000xi32, #tpu.memory_space<hbm>> -> memref<2x128xi32, #tpu.memory_space<hbm>>
          tpu.wait_dma2 semaphore(%dma_wait3A_491 : memref<!tpu.dma_semaphore, #tpu.memory_space<semaphore_mem>>) src(%dma_wait3A_497 : memref<2x128xi32, #tpu.memory_space<hbm>>) dst(%dma_wait3A_495 : memref<2x128xi32, #tpu.memory_space<vmem>>)
          %add3A_498 = arith.constant 4 : i32
          %add3A_499 = arith.addi %div3A_445, %add3A_498 : i32
          %sub3A_500 = arith.constant 2 : i32
          %sub3A_501 = arith.subi %add3A_499, %sub3A_500 : i32
          %mul3A_502 = arith.constant 2 : i32
          %mul3A_503 = arith.muli %mul3A_502, %sub3A_501 : i32
          %lt3A_504 = arith.cmpi slt, %mul3A_503, %add3A_5 : i32
          %convert_element_type3A_505 = arith.extui %lt3A_504 : i1 to i32
          %cond3A_506 = arith.constant 0 : i32
          %cond3A_507 = arith.cmpi ne, %convert_element_type3A_505, %cond3A_506 : i32
          scf.if %cond3A_507 {
            %rem3A_508 = arith.constant 8 : i32
            %rem3A_509 = arith.remsi %sub3A_501, %rem3A_508 : i32
            %add3A_510 = arith.addi %select_n3A, %sub3A_501 : i32
            %mul3A_511 = arith.constant 2 : i32
            %mul3A_512 = arith.muli %add3A_510, %mul3A_511 : i32
            %mul3A_513 = arith.constant 64 : i32
            %mul3A_514 = arith.muli %mul3A_512, %mul3A_513 : i32
            %dma_start3A_515 = arith.constant 0 : i32
            %dma_start3A_516 = arith.constant 0 : i32
            %dma_start3A_517 = tpu.memref_slice %arg7[%rem3A_509, %dma_start3A_515, %dma_start3A_516] : memref<8x2x128xi32, #tpu.memory_space<vmem>> -> memref<1x2x128xi32, #tpu.memory_space<vmem>>
            %dma_start3A_518 = tpu.memref_squeeze %dma_start3A_517 : memref<1x2x128xi32, #tpu.memory_space<vmem>> -> memref<2x128xi32, #tpu.memory_space<vmem>>
            %dma_start3A_519 = arith.constant 0 : i32
            %dma_start3A_520 = tpu.memref_slice %arg3[%dma_start3A_519, %mul3A_514] : memref<2x320000xi32, #tpu.memory_space<hbm>> -> memref<2x128xi32, #tpu.memory_space<hbm>>
            %dma_start3A_521 = tpu.memref_slice %arg12[%rem3A_509] : memref<8x!tpu.dma_semaphore, #tpu.memory_space<semaphore_mem>> -> memref<1x!tpu.dma_semaphore, #tpu.memory_space<semaphore_mem>>
            %dma_start3A_522 = tpu.memref_squeeze %dma_start3A_521 : memref<1x!tpu.dma_semaphore, #tpu.memory_space<semaphore_mem>> -> memref<!tpu.dma_semaphore, #tpu.memory_space<semaphore_mem>>
            %dma_start3A_523 = arith.constant 0 : i32
            %dma_start3A_524 = arith.constant 0 : i32
            %dma_start3A_525 = tpu.memref_slice %arg7[%rem3A_509, %dma_start3A_523, %dma_start3A_524] : memref<8x2x128xi32, #tpu.memory_space<vmem>> -> memref<1x2x128xi32, #tpu.memory_space<vmem>>
            %dma_start3A_526 = tpu.memref_squeeze %dma_start3A_525 : memref<1x2x128xi32, #tpu.memory_space<vmem>> -> memref<2x128xi32, #tpu.memory_space<vmem>>
            %dma_start3A_527 = arith.constant 0 : i32
            %dma_start3A_528 = tpu.memref_slice %arg3[%dma_start3A_527, %mul3A_514] : memref<2x320000xi32, #tpu.memory_space<hbm>> -> memref<2x128xi32, #tpu.memory_space<hbm>>
            tpu.enqueue_dma source(%dma_start3A_528 : memref<2x128xi32, #tpu.memory_space<hbm>>) target(%dma_start3A_526 : memref<2x128xi32, #tpu.memory_space<vmem>>) target_semaphore(%dma_start3A_522 : memref<!tpu.dma_semaphore, #tpu.memory_space<semaphore_mem>>)
          } else {
          }
        } else {
        }
        %rem3A_455 = arith.constant 4 : i32
        %rem3A_456 = arith.remsi %sub3A_352, %rem3A_455 : i32
        %div3A_457 = arith.constant 2 : i32
        %div3A_458 = arith.divsi %sub3A_352, %div3A_457 : i32
        %rem3A_459 = arith.constant 8 : i32
        %rem3A_460 = arith.remsi %div3A_458, %rem3A_459 : i32
        %rem3A_461 = arith.constant 2 : i32
        %rem3A_462 = arith.remsi %sub3A_352, %rem3A_461 : i32
        %mul3A_463 = arith.constant 64 : i32
        %mul3A_464 = arith.muli %rem3A_462, %mul3A_463 : i32
        %dma_start3A_465 = arith.constant 0 : i32
        %dma_start3A_466 = arith.constant 0 : i32
        %dma_start3A_467 = arith.constant 0 : i32
        %dma_start3A_468 = tpu.memref_slice %arg8[%rem3A_456, %dma_start3A_466, %dma_start3A_467] : memref<4x64x128xf32, #tpu.memory_space<vmem>> -> memref<1x64x128xf32, #tpu.memory_space<vmem>>
        %dma_start3A_469 = tpu.memref_squeeze %dma_start3A_468 : memref<1x64x128xf32, #tpu.memory_space<vmem>> -> memref<64x128xf32, #tpu.memory_space<vmem>>
        %dma_start3A_470 = tpu.memref_slice %arg7[%rem3A_460, %dma_start3A_465, %mul3A_464] : memref<8x2x128xi32, #tpu.memory_space<vmem>> -> memref<1x1x64xi32, #tpu.memory_space<vmem>>
        %dma_start3A_471 = tpu.memref_squeeze %dma_start3A_470 : memref<1x1x64xi32, #tpu.memory_space<vmem>> -> memref<64xi32, #tpu.memory_space<vmem>>
        %dma_start3A_472 = arith.constant 0 : i32
        %dma_start3A_473 = arith.constant 0 : i32
        %dma_start3A_474 = tpu.memref_slice %arg2[%dma_start3A_472, %dma_start3A_473] : memref<10000x128xf32, #tpu.memory_space<hbm>> -> memref<10000x128xf32, #tpu.memory_space<hbm>>
        %dma_start3A_475 = tpu.memref_slice %arg13[%rem3A_456] : memref<4x!tpu.dma_semaphore, #tpu.memory_space<semaphore_mem>> -> memref<1x!tpu.dma_semaphore, #tpu.memory_space<semaphore_mem>>
        %dma_start3A_476 = tpu.memref_squeeze %dma_start3A_475 : memref<1x!tpu.dma_semaphore, #tpu.memory_space<semaphore_mem>> -> memref<!tpu.dma_semaphore, #tpu.memory_space<semaphore_mem>>
        tpu.enqueue_indirect_dma source(%dma_start3A_474 : memref<10000x128xf32, #tpu.memory_space<hbm>>) target(%dma_start3A_469 : memref<64x128xf32, #tpu.memory_space<vmem>>) offsets(%dma_start3A_471 : memref<64xi32, #tpu.memory_space<vmem>>) semaphore(%dma_start3A_476 : memref<!tpu.dma_semaphore, #tpu.memory_space<semaphore_mem>>)
      } else {
      }
      %rem3A_356 = arith.constant 4 : i32
      %rem3A_357 = arith.remsi %add3A_348, %rem3A_356 : i32
      %div3A_358 = arith.constant 2 : i32
      %div3A_359 = arith.divsi %add3A_348, %div3A_358 : i32
      %rem3A_360 = arith.constant 8 : i32
      %rem3A_361 = arith.remsi %div3A_359, %rem3A_360 : i32
      %rem3A_362 = arith.constant 2 : i32
      %rem3A_363 = arith.remsi %add3A_348, %rem3A_362 : i32
      %mul3A_364 = arith.constant 64 : i32
      %mul3A_365 = arith.muli %rem3A_363, %mul3A_364 : i32
      %dma_wait3A_366 = arith.constant 0 : i32
      %dma_wait3A_367 = arith.constant 0 : i32
      %dma_wait3A_368 = arith.constant 0 : i32
      %dma_wait3A_369 = tpu.memref_slice %arg8[%rem3A_357, %dma_wait3A_367, %dma_wait3A_368] : memref<4x64x128xf32, #tpu.memory_space<vmem>> -> memref<1x64x128xf32, #tpu.memory_space<vmem>>
      %dma_wait3A_370 = tpu.memref_squeeze %dma_wait3A_369 : memref<1x64x128xf32, #tpu.memory_space<vmem>> -> memref<64x128xf32, #tpu.memory_space<vmem>>
      %dma_wait3A_371 = tpu.memref_slice %arg7[%rem3A_361, %dma_wait3A_366, %mul3A_365] : memref<8x2x128xi32, #tpu.memory_space<vmem>> -> memref<1x1x64xi32, #tpu.memory_space<vmem>>
      %dma_wait3A_372 = tpu.memref_squeeze %dma_wait3A_371 : memref<1x1x64xi32, #tpu.memory_space<vmem>> -> memref<64xi32, #tpu.memory_space<vmem>>
      %dma_wait3A_373 = arith.constant 0 : i32
      %dma_wait3A_374 = arith.constant 0 : i32
      %dma_wait3A_375 = tpu.memref_slice %arg2[%dma_wait3A_373, %dma_wait3A_374] : memref<10000x128xf32, #tpu.memory_space<hbm>> -> memref<10000x128xf32, #tpu.memory_space<hbm>>
      %dma_wait3A_376 = tpu.memref_slice %arg13[%rem3A_357] : memref<4x!tpu.dma_semaphore, #tpu.memory_space<semaphore_mem>> -> memref<1x!tpu.dma_semaphore, #tpu.memory_space<semaphore_mem>>
      %dma_wait3A_377 = tpu.memref_squeeze %dma_wait3A_376 : memref<1x!tpu.dma_semaphore, #tpu.memory_space<semaphore_mem>> -> memref<!tpu.dma_semaphore, #tpu.memory_space<semaphore_mem>>
      tpu.wait_indirect_dma semaphore(%dma_wait3A_377 : memref<!tpu.dma_semaphore, #tpu.memory_space<semaphore_mem>>) src(%dma_wait3A_375 : memref<10000x128xf32, #tpu.memory_space<hbm>>) dst(%dma_wait3A_370 : memref<64x128xf32, #tpu.memory_space<vmem>>)
      %rem3A_378 = arith.constant 4 : i32
      %rem3A_379 = arith.remsi %add3A_348, %rem3A_378 : i32
      %div3A_380 = arith.constant 2 : i32
      %div3A_381 = arith.divsi %add3A_348, %div3A_380 : i32
      %rem3A_382 = arith.constant 8 : i32
      %rem3A_383 = arith.remsi %div3A_381, %rem3A_382 : i32
      %rem3A_384 = arith.constant 2 : i32
      %rem3A_385 = arith.remsi %add3A_348, %rem3A_384 : i32
      %mul3A_386 = arith.constant 64 : i32
      %mul3A_387 = arith.muli %rem3A_385, %mul3A_386 : i32
      %add3A_388 = arith.constant 0 : i32
      %add3A_389 = arith.addi %mul3A_387, %add3A_388 : i32
      %get3A = arith.constant 1 : i32
      %get3A_390 = arith.index_cast %rem3A_383 : i32 to index
      %get3A_391 = arith.index_cast %get3A : i32 to index
      %get3A_392 = arith.index_cast %add3A_389 : i32 to index
      %get3A_393 = tpu.vector_load %arg7[%get3A_390, %get3A_391, %get3A_392] {strides = array<i32>} : memref<8x2x128xi32, #tpu.memory_space<vmem>>, vector<16xi32>,
      %swap3A = arith.index_cast %rem3A_379 : i32 to index
      %swap3A_394 = arith.constant 0 : index
      %swap3A_395 = tpu.vector_load %arg9[%swap3A, %swap3A_394] {strides = array<i32>} : memref<4x64xi32, #tpu.memory_space<vmem>>, vector<16xi32>,
      tpu.vector_store %arg9[%swap3A, %swap3A_394], %get3A_393 {strides = array<i32>} : memref<4x64xi32, #tpu.memory_space<vmem>>, vector<16xi32>,
      tpu.vector_store_idx %arg10[%get3A_393], %broadcast_in_dim3A_39 {add = true} : memref<10000xf32, #tpu.memory_space<vmem>>[vector<16xi32>], vector<16xf32>,
      %add3A_396 = arith.constant 16 : i32
      %add3A_397 = arith.addi %mul3A_387, %add3A_396 : i32
      %get3A_398 = arith.constant 1 : i32
      %get3A_399 = arith.index_cast %rem3A_383 : i32 to index
      %get3A_400 = arith.index_cast %get3A_398 : i32 to index
      %get3A_401 = arith.index_cast %add3A_397 : i32 to index
      %get3A_402 = tpu.vector_load %arg7[%get3A_399, %get3A_400, %get3A_401] {strides = array<i32>} : memref<8x2x128xi32, #tpu.memory_space<vmem>>, vector<16xi32>,
      %swap3A_403 = arith.index_cast %rem3A_379 : i32 to index
      %swap3A_404 = arith.constant 16 : index
      %swap3A_405 = tpu.vector_load %arg9[%swap3A_403, %swap3A_404] {strides = array<i32>} : memref<4x64xi32, #tpu.memory_space<vmem>>, vector<16xi32>,
      tpu.vector_store %arg9[%swap3A_403, %swap3A_404], %get3A_402 {strides = array<i32>} : memref<4x64xi32, #tpu.memory_space<vmem>>, vector<16xi32>,
      tpu.vector_store_idx %arg10[%get3A_402], %broadcast_in_dim3A_39 {add = true} : memref<10000xf32, #tpu.memory_space<vmem>>[vector<16xi32>], vector<16xf32>,
      %add3A_406 = arith.constant 32 : i32
      %add3A_407 = arith.addi %mul3A_387, %add3A_406 : i32
      %get3A_408 = arith.constant 1 : i32
      %get3A_409 = arith.index_cast %rem3A_383 : i32 to index
      %get3A_410 = arith.index_cast %get3A_408 : i32 to index
      %get3A_411 = arith.index_cast %add3A_407 : i32 to index
      %get3A_412 = tpu.vector_load %arg7[%get3A_409, %get3A_410, %get3A_411] {strides = array<i32>} : memref<8x2x128xi32, #tpu.memory_space<vmem>>, vector<16xi32>,
      %swap3A_413 = arith.index_cast %rem3A_379 : i32 to index
      %swap3A_414 = arith.constant 32 : index
      %swap3A_415 = tpu.vector_load %arg9[%swap3A_413, %swap3A_414] {strides = array<i32>} : memref<4x64xi32, #tpu.memory_space<vmem>>, vector<16xi32>,
      tpu.vector_store %arg9[%swap3A_413, %swap3A_414], %get3A_412 {strides = array<i32>} : memref<4x64xi32, #tpu.memory_space<vmem>>, vector<16xi32>,
      tpu.vector_store_idx %arg10[%get3A_412], %broadcast_in_dim3A_39 {add = true} : memref<10000xf32, #tpu.memory_space<vmem>>[vector<16xi32>], vector<16xf32>,
      %add3A_416 = arith.constant 48 : i32
      %add3A_417 = arith.addi %mul3A_387, %add3A_416 : i32
      %get3A_418 = arith.constant 1 : i32
      %get3A_419 = arith.index_cast %rem3A_383 : i32 to index
      %get3A_420 = arith.index_cast %get3A_418 : i32 to index
      %get3A_421 = arith.index_cast %add3A_417 : i32 to index
      %get3A_422 = tpu.vector_load %arg7[%get3A_419, %get3A_420, %get3A_421] {strides = array<i32>} : memref<8x2x128xi32, #tpu.memory_space<vmem>>, vector<16xi32>,
      %swap3A_423 = arith.index_cast %rem3A_379 : i32 to index
      %swap3A_424 = arith.constant 48 : index
      %swap3A_425 = tpu.vector_load %arg9[%swap3A_423, %swap3A_424] {strides = array<i32>} : memref<4x64xi32, #tpu.memory_space<vmem>>, vector<16xi32>,
      tpu.vector_store %arg9[%swap3A_423, %swap3A_424], %get3A_422 {strides = array<i32>} : memref<4x64xi32, #tpu.memory_space<vmem>>, vector<16xi32>,
      tpu.vector_store_idx %arg10[%get3A_422], %broadcast_in_dim3A_39 {add = true} : memref<10000xf32, #tpu.memory_space<vmem>>[vector<16xi32>], vector<16xf32>,
      %rem3A_426 = arith.constant 4 : i32
      %rem3A_427 = arith.remsi %add3A_348, %rem3A_426 : i32
      %dma_start3A_428 = arith.constant 0 : i32
      %dma_start3A_429 = arith.constant 0 : i32
      %dma_start3A_430 = tpu.memref_slice %arg8[%rem3A_427, %dma_start3A_428, %dma_start3A_429] : memref<4x64x128xf32, #tpu.memory_space<vmem>> -> memref<1x64x128xf32, #tpu.memory_space<vmem>>
      %dma_start3A_431 = tpu.memref_squeeze %dma_start3A_430 : memref<1x64x128xf32, #tpu.memory_space<vmem>> -> memref<64x128xf32, #tpu.memory_space<vmem>>
      %dma_start3A_432 = arith.constant 0 : i32
      %dma_start3A_433 = tpu.memref_slice %arg9[%rem3A_427, %dma_start3A_432] : memref<4x64xi32, #tpu.memory_space<vmem>> -> memref<1x64xi32, #tpu.memory_space<vmem>>
      %dma_start3A_434 = tpu.memref_squeeze %dma_start3A_433 : memref<1x64xi32, #tpu.memory_space<vmem>> -> memref<64xi32, #tpu.memory_space<vmem>>
      %dma_start3A_435 = arith.constant 0 : i32
      %dma_start3A_436 = arith.constant 0 : i32
      %dma_start3A_437 = tpu.memref_slice %arg11[%dma_start3A_435, %dma_start3A_436] : memref<10000x128xf32, #tpu.memory_space<vmem_shared>> -> memref<10000x128xf32, #tpu.memory_space<vmem_shared>>
      %dma_start3A_438 = tpu.memref_slice %arg14[%rem3A_427] : memref<4x!tpu.dma_semaphore, #tpu.memory_space<semaphore_mem>> -> memref<1x!tpu.dma_semaphore, #tpu.memory_space<semaphore_mem>>
      %dma_start3A_439 = tpu.memref_squeeze %dma_start3A_438 : memref<1x!tpu.dma_semaphore, #tpu.memory_space<semaphore_mem>> -> memref<!tpu.dma_semaphore, #tpu.memory_space<semaphore_mem>>
      tpu.enqueue_indirect_dma source(%dma_start3A_431 : memref<64x128xf32, #tpu.memory_space<vmem>>) target(%dma_start3A_437 : memref<10000x128xf32, #tpu.memory_space<vmem_shared>>) offsets(%dma_start3A_434 : memref<64xi32, #tpu.memory_space<vmem>>) semaphore(%dma_start3A_439 : memref<!tpu.dma_semaphore, #tpu.memory_space<semaphore_mem>>) {add = true}
    }
    %sub3A_269 = arith.constant 4 : i32
    %sub3A_270 = arith.subi %add3A_5, %sub3A_269 : i32
    %add3A_271 = arith.constant 0 : i32
    %add3A_272 = arith.addi %sub3A_270, %add3A_271 : i32
    %rem3A_273 = arith.constant 4 : i32
    %rem3A_274 = arith.remsi %add3A_272, %rem3A_273 : i32
    %dma_wait3A_275 = arith.constant 0 : i32
    %dma_wait3A_276 = arith.constant 0 : i32
    %dma_wait3A_277 = tpu.memref_slice %arg8[%rem3A_274, %dma_wait3A_275, %dma_wait3A_276] : memref<4x64x128xf32, #tpu.memory_space<vmem>> -> memref<1x64x128xf32, #tpu.memory_space<vmem>>
    %dma_wait3A_278 = tpu.memref_squeeze %dma_wait3A_277 : memref<1x64x128xf32, #tpu.memory_space<vmem>> -> memref<64x128xf32, #tpu.memory_space<vmem>>
    %dma_wait3A_279 = arith.constant 0 : i32
    %dma_wait3A_280 = tpu.memref_slice %arg9[%rem3A_274, %dma_wait3A_279] : memref<4x64xi32, #tpu.memory_space<vmem>> -> memref<1x64xi32, #tpu.memory_space<vmem>>
    %dma_wait3A_281 = tpu.memref_squeeze %dma_wait3A_280 : memref<1x64xi32, #tpu.memory_space<vmem>> -> memref<64xi32, #tpu.memory_space<vmem>>
    %dma_wait3A_282 = arith.constant 0 : i32
    %dma_wait3A_283 = arith.constant 0 : i32
    %dma_wait3A_284 = tpu.memref_slice %arg11[%dma_wait3A_282, %dma_wait3A_283] : memref<10000x128xf32, #tpu.memory_space<vmem_shared>> -> memref<10000x128xf32, #tpu.memory_space<vmem_shared>>
    %dma_wait3A_285 = tpu.memref_slice %arg14[%rem3A_274] : memref<4x!tpu.dma_semaphore, #tpu.memory_space<semaphore_mem>> -> memref<1x!tpu.dma_semaphore, #tpu.memory_space<semaphore_mem>>
    %dma_wait3A_286 = tpu.memref_squeeze %dma_wait3A_285 : memref<1x!tpu.dma_semaphore, #tpu.memory_space<semaphore_mem>> -> memref<!tpu.dma_semaphore, #tpu.memory_space<semaphore_mem>>
    tpu.wait_indirect_dma semaphore(%dma_wait3A_286 : memref<!tpu.dma_semaphore, #tpu.memory_space<semaphore_mem>>) src(%dma_wait3A_278 : memref<64x128xf32, #tpu.memory_space<vmem>>) dst(%dma_wait3A_284 : memref<10000x128xf32, #tpu.memory_space<vmem_shared>>)
    %sub3A_287 = arith.constant 4 : i32
    %sub3A_288 = arith.subi %add3A_5, %sub3A_287 : i32
    %add3A_289 = arith.constant 1 : i32
    %add3A_290 = arith.addi %sub3A_288, %add3A_289 : i32
    %rem3A_291 = arith.constant 4 : i32
    %rem3A_292 = arith.remsi %add3A_290, %rem3A_291 : i32
    %dma_wait3A_293 = arith.constant 0 : i32
    %dma_wait3A_294 = arith.constant 0 : i32
    %dma_wait3A_295 = tpu.memref_slice %arg8[%rem3A_292, %dma_wait3A_293, %dma_wait3A_294] : memref<4x64x128xf32, #tpu.memory_space<vmem>> -> memref<1x64x128xf32, #tpu.memory_space<vmem>>
    %dma_wait3A_296 = tpu.memref_squeeze %dma_wait3A_295 : memref<1x64x128xf32, #tpu.memory_space<vmem>> -> memref<64x128xf32, #tpu.memory_space<vmem>>
    %dma_wait3A_297 = arith.constant 0 : i32
    %dma_wait3A_298 = tpu.memref_slice %arg9[%rem3A_292, %dma_wait3A_297] : memref<4x64xi32, #tpu.memory_space<vmem>> -> memref<1x64xi32, #tpu.memory_space<vmem>>
    %dma_wait3A_299 = tpu.memref_squeeze %dma_wait3A_298 : memref<1x64xi32, #tpu.memory_space<vmem>> -> memref<64xi32, #tpu.memory_space<vmem>>
    %dma_wait3A_300 = arith.constant 0 : i32
    %dma_wait3A_301 = arith.constant 0 : i32
    %dma_wait3A_302 = tpu.memref_slice %arg11[%dma_wait3A_300, %dma_wait3A_301] : memref<10000x128xf32, #tpu.memory_space<vmem_shared>> -> memref<10000x128xf32, #tpu.memory_space<vmem_shared>>
    %dma_wait3A_303 = tpu.memref_slice %arg14[%rem3A_292] : memref<4x!tpu.dma_semaphore, #tpu.memory_space<semaphore_mem>> -> memref<1x!tpu.dma_semaphore, #tpu.memory_space<semaphore_mem>>
    %dma_wait3A_304 = tpu.memref_squeeze %dma_wait3A_303 : memref<1x!tpu.dma_semaphore, #tpu.memory_space<semaphore_mem>> -> memref<!tpu.dma_semaphore, #tpu.memory_space<semaphore_mem>>
    tpu.wait_indirect_dma semaphore(%dma_wait3A_304 : memref<!tpu.dma_semaphore, #tpu.memory_space<semaphore_mem>>) src(%dma_wait3A_296 : memref<64x128xf32, #tpu.memory_space<vmem>>) dst(%dma_wait3A_302 : memref<10000x128xf32, #tpu.memory_space<vmem_shared>>)
    %sub3A_305 = arith.constant 4 : i32
    %sub3A_306 = arith.subi %add3A_5, %sub3A_305 : i32
    %add3A_307 = arith.constant 2 : i32
    %add3A_308 = arith.addi %sub3A_306, %add3A_307 : i32
    %rem3A_309 = arith.constant 4 : i32
    %rem3A_310 = arith.remsi %add3A_308, %rem3A_309 : i32
    %dma_wait3A_311 = arith.constant 0 : i32
    %dma_wait3A_312 = arith.constant 0 : i32
    %dma_wait3A_313 = tpu.memref_slice %arg8[%rem3A_310, %dma_wait3A_311, %dma_wait3A_312] : memref<4x64x128xf32, #tpu.memory_space<vmem>> -> memref<1x64x128xf32, #tpu.memory_space<vmem>>
    %dma_wait3A_314 = tpu.memref_squeeze %dma_wait3A_313 : memref<1x64x128xf32, #tpu.memory_space<vmem>> -> memref<64x128xf32, #tpu.memory_space<vmem>>
    %dma_wait3A_315 = arith.constant 0 : i32
    %dma_wait3A_316 = tpu.memref_slice %arg9[%rem3A_310, %dma_wait3A_315] : memref<4x64xi32, #tpu.memory_space<vmem>> -> memref<1x64xi32, #tpu.memory_space<vmem>>
    %dma_wait3A_317 = tpu.memref_squeeze %dma_wait3A_316 : memref<1x64xi32, #tpu.memory_space<vmem>> -> memref<64xi32, #tpu.memory_space<vmem>>
    %dma_wait3A_318 = arith.constant 0 : i32
    %dma_wait3A_319 = arith.constant 0 : i32
    %dma_wait3A_320 = tpu.memref_slice %arg11[%dma_wait3A_318, %dma_wait3A_319] : memref<10000x128xf32, #tpu.memory_space<vmem_shared>> -> memref<10000x128xf32, #tpu.memory_space<vmem_shared>>
    %dma_wait3A_321 = tpu.memref_slice %arg14[%rem3A_310] : memref<4x!tpu.dma_semaphore, #tpu.memory_space<semaphore_mem>> -> memref<1x!tpu.dma_semaphore, #tpu.memory_space<semaphore_mem>>
    %dma_wait3A_322 = tpu.memref_squeeze %dma_wait3A_321 : memref<1x!tpu.dma_semaphore, #tpu.memory_space<semaphore_mem>> -> memref<!tpu.dma_semaphore, #tpu.memory_space<semaphore_mem>>
    tpu.wait_indirect_dma semaphore(%dma_wait3A_322 : memref<!tpu.dma_semaphore, #tpu.memory_space<semaphore_mem>>) src(%dma_wait3A_314 : memref<64x128xf32, #tpu.memory_space<vmem>>) dst(%dma_wait3A_320 : memref<10000x128xf32, #tpu.memory_space<vmem_shared>>)
    %sub3A_323 = arith.constant 4 : i32
    %sub3A_324 = arith.subi %add3A_5, %sub3A_323 : i32
    %add3A_325 = arith.constant 3 : i32
    %add3A_326 = arith.addi %sub3A_324, %add3A_325 : i32
    %rem3A_327 = arith.constant 4 : i32
    %rem3A_328 = arith.remsi %add3A_326, %rem3A_327 : i32
    %dma_wait3A_329 = arith.constant 0 : i32
    %dma_wait3A_330 = arith.constant 0 : i32
    %dma_wait3A_331 = tpu.memref_slice %arg8[%rem3A_328, %dma_wait3A_329, %dma_wait3A_330] : memref<4x64x128xf32, #tpu.memory_space<vmem>> -> memref<1x64x128xf32, #tpu.memory_space<vmem>>
    %dma_wait3A_332 = tpu.memref_squeeze %dma_wait3A_331 : memref<1x64x128xf32, #tpu.memory_space<vmem>> -> memref<64x128xf32, #tpu.memory_space<vmem>>
    %dma_wait3A_333 = arith.constant 0 : i32
    %dma_wait3A_334 = tpu.memref_slice %arg9[%rem3A_328, %dma_wait3A_333] : memref<4x64xi32, #tpu.memory_space<vmem>> -> memref<1x64xi32, #tpu.memory_space<vmem>>
    %dma_wait3A_335 = tpu.memref_squeeze %dma_wait3A_334 : memref<1x64xi32, #tpu.memory_space<vmem>> -> memref<64xi32, #tpu.memory_space<vmem>>
    %dma_wait3A_336 = arith.constant 0 : i32
    %dma_wait3A_337 = arith.constant 0 : i32
    %dma_wait3A_338 = tpu.memref_slice %arg11[%dma_wait3A_336, %dma_wait3A_337] : memref<10000x128xf32, #tpu.memory_space<vmem_shared>> -> memref<10000x128xf32, #tpu.memory_space<vmem_shared>>
    %dma_wait3A_339 = tpu.memref_slice %arg14[%rem3A_328] : memref<4x!tpu.dma_semaphore, #tpu.memory_space<semaphore_mem>> -> memref<1x!tpu.dma_semaphore, #tpu.memory_space<semaphore_mem>>
    %dma_wait3A_340 = tpu.memref_squeeze %dma_wait3A_339 : memref<1x!tpu.dma_semaphore, #tpu.memory_space<semaphore_mem>> -> memref<!tpu.dma_semaphore, #tpu.memory_space<semaphore_mem>>
    tpu.wait_indirect_dma semaphore(%dma_wait3A_340 : memref<!tpu.dma_semaphore, #tpu.memory_space<semaphore_mem>>) src(%dma_wait3A_332 : memref<64x128xf32, #tpu.memory_space<vmem>>) dst(%dma_wait3A_338 : memref<10000x128xf32, #tpu.memory_space<vmem_shared>>)
    %barrier3A_341 = arith.constant 0 : index
    tpu.barrier barrier_id(%barrier3A_341)
    %mul3A_342 = arith.constant 624 : i32
    %mul3A_343 = arith.muli %arg1, %mul3A_342 : i32
    %mul3A_344 = arith.constant 624 : i32
    %mul3A_345 = arith.muli %arg1, %mul3A_344 : i32
    "tpu.region"() ({
      %run_scoped3A_346 = tpu.sem_alloc : memref<!tpu.dma_semaphore, #tpu.memory_space<semaphore_mem>>
      %dma_start3A_347 = arith.constant 0 : i32
      %dma_start3A_348 = tpu.memref_slice %arg5[%arg0, %mul3A_345, %dma_start3A_347] : memref<2x10000x128xf32, #tpu.memory_space<hbm>> -> memref<1x640x128xf32, #tpu.memory_space<hbm>>
      %dma_start3A_349 = tpu.memref_squeeze %dma_start3A_348 : memref<1x640x128xf32, #tpu.memory_space<hbm>> -> memref<640x128xf32, #tpu.memory_space<hbm>>
      %dma_start3A_350 = arith.constant 0 : i32
      %dma_start3A_351 = tpu.memref_slice %arg11[%mul3A_343, %dma_start3A_350] : memref<10000x128xf32, #tpu.memory_space<vmem_shared>> -> memref<640x128xf32, #tpu.memory_space<vmem_shared>>
      tpu.enqueue_dma source(%dma_start3A_351 : memref<640x128xf32, #tpu.memory_space<vmem_shared>>) target(%dma_start3A_349 : memref<640x128xf32, #tpu.memory_space<hbm>>) target_semaphore(%run_scoped3A_346 : memref<!tpu.dma_semaphore, #tpu.memory_space<semaphore_mem>>)
      %dma_wait3A_352 = arith.constant 0 : i32
      %dma_wait3A_353 = tpu.memref_slice %arg5[%arg0, %mul3A_345, %dma_wait3A_352] : memref<2x10000x128xf32, #tpu.memory_space<hbm>> -> memref<1x640x128xf32, #tpu.memory_space<hbm>>
      %dma_wait3A_354 = tpu.memref_squeeze %dma_wait3A_353 : memref<1x640x128xf32, #tpu.memory_space<hbm>> -> memref<640x128xf32, #tpu.memory_space<hbm>>
      %dma_wait3A_355 = arith.constant 0 : i32
      %dma_wait3A_356 = tpu.memref_slice %arg11[%mul3A_343, %dma_wait3A_355] : memref<10000x128xf32, #tpu.memory_space<vmem_shared>> -> memref<640x128xf32, #tpu.memory_space<vmem_shared>>
      tpu.wait_dma2 semaphore(%run_scoped3A_346 : memref<!tpu.dma_semaphore, #tpu.memory_space<semaphore_mem>>) src(%dma_wait3A_356 : memref<640x128xf32, #tpu.memory_space<vmem_shared>>) dst(%dma_wait3A_354 : memref<640x128xf32, #tpu.memory_space<hbm>>)
      tpu.yield
    }) : () -> ()
    %run_scoped3A = arith.constant 0 : i32
    "tpu.region"() ({
      %run_scoped3A_346 = tpu.sem_alloc : memref<!tpu.dma_semaphore, #tpu.memory_space<semaphore_mem>>
      %dma_start3A_347 = arith.constant 0 : i32
      %dma_start3A_348 = tpu.memref_slice %arg10[%dma_start3A_347] : memref<10000xf32, #tpu.memory_space<vmem>> -> memref<10000xf32, #tpu.memory_space<vmem>>
      %dma_start3A_349 = arith.constant 0 : i32
      %dma_start3A_350 = tpu.memref_slice %arg6[%add3A, %run_scoped3A, %dma_start3A_349] : memref<32x1x10000xf32, #tpu.memory_space<hbm>> -> memref<1x1x10000xf32, #tpu.memory_space<hbm>>
      %dma_start3A_351 = tpu.memref_squeeze %dma_start3A_350 : memref<1x1x10000xf32, #tpu.memory_space<hbm>> -> memref<10000xf32, #tpu.memory_space<hbm>>
      %dma_start3A_352 = arith.constant 0 : i32
      %dma_start3A_353 = tpu.memref_slice %arg6[%add3A, %run_scoped3A, %dma_start3A_352] : memref<32x1x10000xf32, #tpu.memory_space<hbm>> -> memref<1x1x10000xf32, #tpu.memory_space<hbm>>
      %dma_start3A_354 = tpu.memref_squeeze %dma_start3A_353 : memref<1x1x10000xf32, #tpu.memory_space<hbm>> -> memref<10000xf32, #tpu.memory_space<hbm>>
      %dma_start3A_355 = arith.constant 0 : i32
      %dma_start3A_356 = tpu.memref_slice %arg10[%dma_start3A_355] : memref<10000xf32, #tpu.memory_space<vmem>> -> memref<10000xf32, #tpu.memory_space<vmem>>
      tpu.enqueue_dma source(%dma_start3A_356 : memref<10000xf32, #tpu.memory_space<vmem>>) target(%dma_start3A_354 : memref<10000xf32, #tpu.memory_space<hbm>>) target_semaphore(%run_scoped3A_346 : memref<!tpu.dma_semaphore, #tpu.memory_space<semaphore_mem>>)
      %dma_wait3A_357 = arith.constant 0 : i32
      %dma_wait3A_358 = tpu.memref_slice %arg10[%dma_wait3A_357] : memref<10000xf32, #tpu.memory_space<vmem>> -> memref<10000xf32, #tpu.memory_space<vmem>>
      %dma_wait3A_359 = arith.constant 0 : i32
      %dma_wait3A_360 = tpu.memref_slice %arg6[%add3A, %run_scoped3A, %dma_wait3A_359] : memref<32x1x10000xf32, #tpu.memory_space<hbm>> -> memref<1x1x10000xf32, #tpu.memory_space<hbm>>
      %dma_wait3A_361 = tpu.memref_squeeze %dma_wait3A_360 : memref<1x1x10000xf32, #tpu.memory_space<hbm>> -> memref<10000xf32, #tpu.memory_space<hbm>>
      %dma_wait3A_362 = arith.constant 0 : i32
      %dma_wait3A_363 = tpu.memref_slice %arg6[%add3A, %run_scoped3A, %dma_wait3A_362] : memref<32x1x10000xf32, #tpu.memory_space<hbm>> -> memref<1x1x10000xf32, #tpu.memory_space<hbm>>
      %dma_wait3A_364 = tpu.memref_squeeze %dma_wait3A_363 : memref<1x1x10000xf32, #tpu.memory_space<hbm>> -> memref<10000xf32, #tpu.memory_space<hbm>>
      %dma_wait3A_365 = arith.constant 0 : i32
      %dma_wait3A_366 = tpu.memref_slice %arg10[%dma_wait3A_365] : memref<10000xf32, #tpu.memory_space<vmem>> -> memref<10000xf32, #tpu.memory_space<vmem>>
      tpu.wait_dma2 semaphore(%run_scoped3A_346 : memref<!tpu.dma_semaphore, #tpu.memory_space<semaphore_mem>>) src(%dma_wait3A_366 : memref<10000xf32, #tpu.memory_space<vmem>>) dst(%dma_wait3A_364 : memref<10000xf32, #tpu.memory_space<hbm>>)
      tpu.yield
    }) : () -> ()
    return
  }
}

</mosaic_0001>

<sc_bundles>
// kernel: _sc_edge_aggregate.3.cloned.1.call-start
scs
__scs_entry_jumppad:
0x0: {  	(pc) =	sbr.rel $0x88, $3  }
0x1: {  	(tag) =	ssettag $0x0;
	lr =	simm.s32 $0x1  }
0x2: {  	[smem:$0x3F9E] =	sst lr;
	_ =	strace $0xD0000000  }
0x3: {  	_ = 	snop  }
0x4: {  	_ = 	snop  }
0x5: {  	_ = 	snop  }
0x6: {  	_ = 	snop  }
0x7: {  	_ = 	snop  }
__scs_overlays_trampoline_lowered:
0x8: {  	[smem:$0x3FAD] =	sst s0  }
0x9: {  	[smem:$0x3FAE] =	sst s1  }
0xa: {  	[smem:$0x3FAF] =	sst s2  }
0xb: {  	[smem:$0x3FB0] =	sst s3  }
0xc: {  	[smem:$0x3FB1] =	sst s4  }
0xd: {  	[smem:$0x3FB2] =	sst s5  }
0xe: {  	[smem:$0x3FB3] =	sst s6  }
0xf: {  	[smem:$0x3FB4] =	sst s7  }
0x10: {  	[smem:$0x3FB5] =	sst s8  }
0x11: {  	[smem:$0x3FB6] =	sst s9;
	s0 =	simm.s32 @!p0 $0x0  }
0x12: {  	s1 =	sld [smem:$0x3F9C];
	s0 =	simm.s32 @p0 $0x1  }
0x13: {  	[smem:$0x3FB7] =	sst s0;
	s0 =	simm.s32 @!p1 $0x0  }
0x14: {  	s2 =	sld [smem:$0x3F9B];
	s0 =	simm.s32 @p1 $0x1  }
0x15: {  	[smem:$0x3FB8] =	sst s0;
	s0 =	simm.s32 @!p2 $0x0  }
0x16: {  	s3 =	sld [smem:$0x3FDB];
	s0 =	simm.s32 @p2 $0x1  }
0x17: {  	s4 =	simm.s32 $0x1BF5;
	[smem:$0x3FBA] =	sst s0  }
0x18: {  	s0 =	sld [smem:$0x3F9D];
	_ =	swait.ge [sflag:s4], $0x0  }
0x19: {  	s7 =	sld [smem:$0x3F9E]  }
0x1a: {  	s8 =	sadd.s32 $0xFFFFE003, lr  }
0x1b: {  	s9 =	sadd.s32 $0xFFFFFEF7, lr;
	s5 =	simm.s32 $0xFFFFFFFF;
	p2 =	slt.u32 s8, $0xFFFFF086  }
0x1c: {  	p1 =	slt.u32 s9, $0xF7A;
	s5 =	simm.s32 @!p2 $0x0  }
0x1d: {  	s5 =	simm.s32 @p1 $0x1;
	p0 =	seq.s32 s7, s2  }
0x1e: {  	s7 =	smul.u32 @!p0 $0xF7A, s2;
	p2 =	seq.s32 @!p0 s5, $0x0  }
0x1f: {  	s9 =	smul.u32 $0xF7A, s1;
	s8 =	simm.s32 @!p0 $0x1BF5;
	p2 =	por !p2, p0  }
0x20: {  	[sflag:s8] =	ssyncset.s32 @!p0 $0xFFFFF086;
	s6 =	sadd.s32 @!p0 s3, s7;
	s7 =	simm.s32 @!p0 $0x108  }
0x21: {  	s3 =	sadd.s32 s3, s9;
	s6 =	sadd.s32 @!p0 $0x88, s6;
	s7 =	simm.s32 @p2 $0x1082  }
0x22: {  	[simem:s7], [sflag:s8] =	dma.local @!p0 [hbm:s6], $0xF7A  }
0x23: {  	s9 =	sor.u32 $0xD0000000, s2;
	s6 =	simm.s32 $0x108;
	_ =	swait.ge @!p0 [sflag:s8], $0x0  }
0x24: {  	s3 =	sadd.s32 $0x88, s3;
	s6 =	simm.s32 @!p1 $0x1082;
	[sflag:s4] =	ssyncset.s32 $0xFFFFF086  }
0x25: {  	[simem:s6], [sflag:s4] =	dma.local [hbm:s3], $0xF7A  }
0x26: {  	[smem:$0x3F9E] =	sst s1;
	(tag) =	ssettag s2;
	_ =	strace s9  }
0x27: {  	s1 =	sld [smem:$0x3FAE]  }
0x28: {  	s2 =	sld [smem:$0x3FAF]  }
0x29: {  	s4 =	sld [smem:$0x3FB1]  }
0x2a: {  	p0 =	seq.s32 s5, $0x0;
	s5 =	sld [smem:$0x3FB2]  }
0x2b: {  	s6 =	sld [smem:$0x3FB3]  }
0x2c: {  	s7 =	sld [smem:$0x3FB4]  }
0x2d: {  	s3 =	simm.s32 $0x108;
	s8 =	sld [smem:$0x3FB5]  }
0x2e: {  	s3 =	simm.s32 @!p0 $0x1082;
	s9 =	sld [smem:$0x3FB6]  }
0x2f: {  	lr =	sadd.s32 s0, s3;
	s0 =	sld [smem:$0x3FAD]  }
0x30: {  	s3 =	sld [smem:$0x3FB0]  }
0x31: {  	[smem:$0x3FB9] =	sst s10  }
0x32: {  	s10 =	sld [smem:$0x3FB7];
	_ =	sdelay $0x3  }
0x33: {  	p0 =	seq.s32 s10, $0x1;
	s10 =	sld [smem:$0x3FB9];
	_ =	sdelay $0x3  }
0x34: {  	[smem:$0x3FB9] =	sst s10  }
0x35: {  	s10 =	sld [smem:$0x3FB8];
	_ =	sdelay $0x3  }
0x36: {  	p1 =	seq.s32 s10, $0x1;
	s10 =	sld [smem:$0x3FB9];
	_ =	sdelay $0x3  }
0x37: {  	[smem:$0x3FB9] =	sst s10  }
0x38: {  	s10 =	sld [smem:$0x3FBA]  }
0x39: {  	_ = 	snop;
	(pc) =	sbr.ind lr, $3  }
0x3a: {  	_ = 	snop  }
0x3b: {  	_ = 	snop  }
0x3c: {  	p2 =	seq.s32 s10, $0x1;
	s10 =	sld [smem:$0x3FB9]  }
0x3d: {  	_ =	shalt  }
0x3e: {  	_ =	shalt  }
0x3f: {  	_ =	shalt  }
0x40: {  	_ =	shalt  }
0x41: {  	_ =	shalt  }
0x42: {  	_ =	shalt  }
0x43: {  	_ =	shalt  }
0x44: {  	_ =	shalt  }
0x45: {  	_ =	shalt  }
0x46: {  	_ =	shalt  }
0x47: {  	_ =	shalt  }
0x48: {  	_ =	shalt  }
0x49: {  	_ =	shalt  }
0x4a: {  	_ =	shalt  }
0x4b: {  	_ =	shalt  }
0x4c: {  	_ =	shalt  }
0x4d: {  	_ =	shalt  }
0x4e: {  	_ =	shalt  }
0x4f: {  	_ =	shalt  }
0x50: {  	_ =	shalt  }
0x51: {  	_ =	shalt  }
0x52: {  	_ =	shalt  }
0x53: {  	_ =	shalt  }
0x54: {  	_ =	shalt  }
0x55: {  	_ =	shalt  }
0x56: {  	_ =	shalt  }
0x57: {  	_ =	shalt  }
0x58: {  	_ =	shalt  }
0x59: {  	_ =	shalt  }
0x5a: {  	_ =	shalt  }
0x5b: {  	_ =	shalt  }
0x5c: {  	_ =	shalt  }
0x5d: {  	_ =	shalt  }
0x5e: {  	_ =	shalt  }
0x5f: {  	_ =	shalt  }
0x60: {  	_ =	shalt  }
0x61: {  	_ =	shalt  }
0x62: {  	_ =	shalt  }
0x63: {  	_ =	shalt  }
0x64: {  	_ =	shalt  }
0x65: {  	_ =	shalt  }
0x66: {  	_ =	shalt  }
0x67: {  	_ =	shalt  }
0x68: {  	_ =	shalt  }
0x69: {  	_ =	shalt  }
0x6a: {  	_ =	shalt  }
0x6b: {  	_ =	shalt  }
0x6c: {  	_ =	shalt  }
0x6d: {  	_ =	shalt  }
0x6e: {  	_ =	shalt  }
0x6f: {  	_ =	shalt  }
0x70: {  	_ =	shalt  }
0x71: {  	_ =	shalt  }
0x72: {  	_ =	shalt  }
0x73: {  	_ =	shalt  }
0x74: {  	_ =	shalt  }
0x75: {  	_ =	shalt  }
0x76: {  	_ =	shalt  }
0x77: {  	_ =	shalt  }
0x78: {  	_ =	shalt  }
0x79: {  	_ =	shalt  }
0x7a: {  	_ =	shalt  }
0x7b: {  	_ =	shalt  }
0x7c: {  	_ =	shalt  }
0x7d: {  	_ =	shalt  }
0x7e: {  	_ =	shalt  }
0x7f: {  	_ =	shalt  }
0x80: {  	_ =	shalt  }
0x81: {  	_ =	shalt  }
0x82: {  	_ =	shalt  }
0x83: {  	_ =	shalt  }
0x84: {  	_ =	shalt  }
0x85: {  	_ =	shalt  }
0x86: {  	_ =	shalt  }
0x87: {  	_ =	shalt  }
.Lfunc_end0:
.L_simem_size_0:
called_computation_lowered:
.L_overlay_start_0:
0x88: {  	s2 =	sld [smem:$0x3FD9]  }
0x89: {  	s3 =	sld [smem:$0x3FFE];
	_ =	sdelay $0x1  }
0x8a: {  	s1 =	srdreg.scid  }
0x8b: {  	s0 =	sand.u32 $0x1, s1  }
0x8c: {  	s15 =	sshll.u32 s0, $0xA;
	s2 =	sadd.s32 s3, s2  }
0x8d: {  	s2 =	sadd.s32 s2, s15  }
0x8e: {  	[smem:$0x3FC5] =	sst s2  }
0x8f: {  	_ = 	snop  }
0x90: {  	s2 =	sld [smem:$0x3FD0]  }
0x91: {  	s16 =	sld [smem:$0x3FC9]  }
0x92: {  	s4 =	sld [smem:$0x3FC8]  }
0x93: {  	s6 =	simm.s32 $0xA;
	s7 =	simm.s32 $0x10;
	s5 =	sld [smem:$0x3FC7]  }
0x94: {  	[smem:s7], [sflag:s6] =	dma.local [hbm:s2], $0x1  }
0x95: {  	_ =	swait.eq [sflag:s6], $0x1  }
0x96: {  	[sflag:s6] =	ssyncset.done $0x0  }
0x97: {  	s17 =	sld [smem:$0x10];
	[sflag:s6] =	ssyncadd.s32 $0xFFFFFFFF  }
0x98: {  	s18 =	sld [smem:$0x11];
	(tm) =	ssettm $0x1  }
0x99: {  	s19 =	sld [smem:$0x3FFB];
	_ =	sdelay $0x3  }
0x9a: {  	_ =	strace s19  }
0x9b: {  	s7 =	sld [smem:$0x3FFC];
	_ =	sdelay $0x3  }
0x9c: {  	_ =	strace s7  }
0x9d: {  	s7 =	sld [smem:$0x3FFD];
	_ =	sdelay $0x3  }
0x9e: {  	_ =	strace s7  }
0x9f: {  	_ =	strace $0x8FFFFFFF  }
0xa0: {  	s20 =	sld [smem:$0x3FDB];
	_ =	sdelay $0x1  }
0xa1: {  	s8 =	simm.s32 $_scs_section_size  }
0xa2: {  	s9 =	simm.s32 $_size__tile_overlayer_lowered;
	s10 =	simm.s32 $_tile_overlayer_lowered  }
0xa3: {  	s23 =	simm.s32 $0x1BFF;
	s22 =	sshll.u32 s10, $0x1;
	s7 =	sadd.s32 s8, s20  }
0xa4: {  	s11 =	simm.s32 $0x0;
	s21 =	sshll.u32 s9, $0x1;
	s9 =	sadd.s32 s22, s7  }
0xa5: {  	[timem:s11], [sflag:s23] =	dma.local [hbm:s9], s21  }
0xa6: {  	_ =	swait.ge [sflag:s23], s21  }
0xa7: {  	s8 =	ssub.s32 $0x0, s21;
	[sflag:s23] =	ssyncset.done $0x0  }
0xa8: {  	[sflag:s23] =	ssyncadd.s32 s8;
	_ =	sdelay $0x1  }
0xa9: {  	s24 =	simm.s32 $0x1B8B  }
0xaa: {  	_ =	swait.ge [sflag:s24], $0x1  }
0xab: {  	[sflag:s24] =	ssyncset.done $0x0  }
0xac: {  	s25 =	simm.s32 $0x1B8E;
	[sflag:s24] =	ssyncadd.s32 $0xFFFFFFFF  }
0xad: {  	s26 =	simm.s32 $execute0_lowered;
	[smem:$0x3FD2] =	sst s25  }
0xae: {  	s8 =	sshll.u32 s26, $0x1;
	_ =	strace $0x80000046;
	[dreg:$0x1] =	wrdreg $0xFFFFFFFF  }
0xaf: {  	s28 =	simm.s32 $_size_execute0_lowered;
	s7 =	sadd.s32 s7, s8;
	[dreg:$0x0] =	wrdreg $0x0  }
0xb0: {  	s8 =	sshll.u32 s28, $0x1;
	[dreg:$0x2] =	wrdreg s7  }
0xb1: {  	[dreg:$0x3] =	wrdreg s8  }
0xb2: {  	[dreg:$0x4] =	wrdreg $0xC0  }
0xb3: {  	_ =	task [dreg:s11], $0x5FFFF  }
0xb4: {  	[dreg:$0x1] =	wrdreg $0xFFFFFFFF  }
0xb5: {  	[dreg:$0x0] =	wrdreg $0x60  }
0xb6: {  	[dreg:$0x2] =	wrdreg s16  }
0xb7: {  	[dreg:$0x3] =	wrdreg s4  }
0xb8: {  	[dreg:$0x4] =	wrdreg s5  }
0xb9: {  	[dreg:$0x5] =	wrdreg s17  }
0xba: {  	[dreg:$0x6] =	wrdreg s18  }
0xbb: {  	[dreg:$0x7] =	wrdreg $0xB1800  }
0xbc: {  	[dreg:$0x8] =	wrdreg $0x9  }
0xbd: {  	_ =	task.clear_ibuf [dreg:s11], $0x9FFFF;
	_ =	strace $0x90000046  }
0xbe: {  	s29 =	simm.s32 $0x9;
	_ =	strace $0x80000048  }
0xbf: {  	_ =	swait.ge [sflag:s29], $0x1  }
0xc0: {  	[sflag:s29] =	ssyncadd.s32 $0xFFFFFFFF  }
0xc1: {  	_ =	strace $0x90000048  }
0xc2: {  	_ =	sfence  }
0xc3: {  	s30 =	sld [smem:$0x0];
	_ =	sdelay $0x2  }
0xc4: {  	s31 =	sshll.u32 s1, $0xD;
	s1 =	sshrl.u32 s1, $0x2  }
0xc5: {  	s3 =	sand.u32 $0x4000, s31;
	s1 =	sadd.s32 s1, s30  }
0xc6: {  	s0 =	sor.u32 s3, s0;
	s1 =	sshll.u32 s1, $0x11  }
0xc7: {  	s0 =	sor.u32 s1, s0  }
0xc8: {  	s0 =	sadd.s32 $0x8F2B, s0  }
0xc9: {  	[sflag:s0] =	ssyncadd.remote.s32 $0x1  }
0xca: {  	_ =	sfence.sel $0xFFFF  }
0xcb: {  	[dreg:$0x0] =	wrdreg $0xFFFFFFFF;
	(pc) =	sbr.abs _section_cstart, $3  }
0xcc: {  	[dreg:$0x1] =	wrdreg $0xFFFFFFFF  }
0xcd: {  	_ =	task.clear_ibuf [dreg:s11], $0x2FFFF;
	_ =	strace $0x9FFFFFFF  }
0xce: {  	(tm) =	ssettm $0x7FFFFFFF  }
0xcf: {  	_ =	shalt  }
tec
execute0_lowered:
.L_overlay_start_1:
0x0: {  	(tag) =	ssettag $0x1  }
0x1: {  	s1 =	rddreg [dreg:$0x0]  }
0x2: {  	s2 =	rddreg [dreg:$0x1]  }
0x3: {  	s0 =	rddreg [dreg:$0x3]  }
0x4: {  	s3 =	rddreg [dreg:$0x4]  }
0x5: {  	s4 =	rddreg [dreg:$0x5];
	s5 =	simm.s32 $0x0;
	s6 =	srdreg.scid  }
0x6: {  	s15 =	stileid.u32;
	s31 =	simm.s32 $0x40;
	s30 =	simm.s32 $0x0  }
0x7: {  	[smem:$0x7FF] =	sst s5;
	s6 =	sand.u32 $0x1, s6;
	s20 =	smul.u32 $0x9C, s15  }
0x8: {  	p0 =	slt.u32 s15, $0x2;
	s10 =	smin.u32 s15, $0x2;
	s11 =	smul.u32 $0x4E000, s15  }
0x9: {  	s23 =	sshll.u32 s15, $0x6;
	s17 =	smul.u32 $0x13800, s15;
	_ =	strace $0x80000047  }
0xa: {  	s7 =	ssub.s32 $0x2, s6;
	s9 =	smul.u32 $0x9C4, s6;
	s19 =	sshll.u32 s6, $0x4  }
0xb: {  	s21 =	sshll.u32 s10, $0x1;
	s6 =	smul.u32 $0x138800, s6;
	[dreg:$0x8] =	wrdreg s31  }
0xc: {  	s8 =	sshrl.u32 s7, $0x1;
	s13 =	sor.u32 s15, s19;
	s11 =	sshrl.u32 s11, $0x2  }
0xd: {  	s12 =	ssub.s32 s7, s8;
	s7 =	simm.s32 $0x2;
	s8 =	sadd.s32 s20, s9  }
0xe: {  	s22 =	sadd.s32 s11, s4;
	s11 =	sor.u32 $0x1C11, s23;
	s6 =	sadd.s32 s17, s6  }
0xf: {  	s13 =	smul.u32 $0x4F0, s13;
	s23 =	simm.s32 $0x11;
	s7 =	simm.s32 @!p0 $0x0  }
0x10: {  	s10 =	sadd.s32 s21, s8;
	s6 =	sshrl.u32 s6, $0x3;
	s29 =	smax.u32 s12, $0x1  }
0x11: {  	s22 =	sshrl.u32 s22, $0x3;
	s9 =	sor.u32 $0x9C, s7;
	s14 =	sshrl.u32 s10, $0x1  }
0x12: {  	s10 =	sshll.u32 s10, $0x4;
	s15 =	sor.u32 $0xD, s7;
	[dreg:$0xf] =	wrdreg s29  }
0x13: {  	s16 =	sadd.s32 $0xE, s7;
	s0 =	sadd.s32 s0, s6;
	[dreg:$0x7] =	wrdreg s14  }
0x14: {  	s18 =	sxor.u32 $0x2, s7;
	s28 =	sadd.s32 s3, s13;
	[dreg:$0xd] =	wrdreg s0  }
0x15: {  	s19 =	sadd.s32 $0xFFFFFFFF, s7;
	s24 =	sadd.s32 s2, s10;
	[dreg:$0xe] =	wrdreg s28  }
0x16: {  	s3 =	simm.s32 $0x9;
	s10 =	sadd.s32 $0x20, s24;
	[dreg:$0x9] =	wrdreg s24  }
0x17: {  	s17 =	sor.u32 $0xD, s18;
	s25 =	sadd.s32 $0x40, s24;
	[dreg:$0xa] =	wrdreg s10  }
0x18: {  	s26 =	sand.u32 $0x3, s19;
	s8 =	sadd.s32 $0x60, s24;
	[dreg:$0xb] =	wrdreg s25  }
0x19: {  	v0 =	vimm.f32 $0.0e+00;
	v1 =	vimm.f32 $1.000000000e+00;
	s18 =	sadd.s32 $0xD, s26;
	[dreg:$0xc] =	wrdreg s8;
	s25 =	simm.s32 $0x8A00  }
.LBB2_1:
0x1a: {  	s0 =	rddreg [dreg:$0x2]  }
0x1b: {  	[spmem:s22], [sflag:s11] =	dma.local [hbm:s0], $0x2800  }
0x1c: {  	_ =	swait.ge [sflag:s23], $0x2800  }
0x1d: {  	[sflag:s23] =	ssyncset.done $0x0  }
0x1e: {  	s6 =	simm.s32 $0x0;
	s0 =	simm.s32 $0x40;
	[sflag:s23] =	ssyncadd.s32 $0xFFFFD800  }
.LBB2_2:
0x1f: {  	p0 =	sne.s32 s0, $0x9C00;
	[tilespmem:s6+$0x8A00] =	vst v0;
	s6 =	smov.u32 s0;
	s0 =	sadd.s32 $0x40, s0  }
.Ltmp0:
0x20: {  	(pc) =	sbr.rel @p0 .LBB2_2-.Ltmp0, $2  }
0x21: {  	_ =	sdelay $0x2  }
0x22: {  	s6 =	sshra.s32 s6, $0x2  }
0x23: {  	[tilespmem:s6+$0x8A00] =	vst v0  }
0x24: {  	[bflag:$0x0] =	sbarrier.arrive $0xFFFF  }
0x25: {  	s0 =	rddreg [dreg:$0x9]  }
0x26: {  	[tilespmem:s5], [sflag:$0x1] =	stream.linear.gather [hbm4b:s0+s5], $0x100, $0x38;
	[tilespmem:$0x1EA00] =	vst v63  }
0x27: {  	s29 =	simm.s32 $0x100;
	s28 =	rddreg [dreg:$0xa]  }
0x28: {  	[tilespmem:s29], [sflag:$0x2] =	stream.linear.gather [hbm4b:s28+s5], $0x100, $0x38;
	[tilespmem:$0x1EA00] =	vst v63  }
0x29: {  	s8 =	simm.s32 $0x200;
	s10 =	rddreg [dreg:$0xb]  }
0x2a: {  	[tilespmem:s8], [sflag:$0x3] =	stream.linear.gather [hbm4b:s10+s5], $0x100, $0x38;
	[tilespmem:$0x1EA00] =	vst v63  }
0x2b: {  	s13 =	simm.s32 $0x300;
	s14 =	simm.s32 $0x1;
	s12 =	rddreg [dreg:$0xc]  }
0x2c: {  	[tilespmem:s13], [sflag:$0x4] =	stream.linear.gather [hbm4b:s12+s5], $0x100, $0x38;
	[tilespmem:$0x1EA00] =	vst v63  }
0x2d: {  	_ =	swait.ge [sflag:s14], $0x100  }
0x2e: {  	[sflag:s14] =	ssyncset.done $0x0  }
0x2f: {  	s19 =	simm.s32 $0x2;
	[sflag:s14] =	ssyncadd.s32 $0xFFFFFF00  }
0x30: {  	_ =	swait.ge [sflag:s19], $0x100  }
0x31: {  	[sflag:s19] =	ssyncset.done $0x0  }
0x32: {  	s31 =	simm.s32 $0x40;
	s20 =	simm.s32 $0x800;
	[sflag:s19] =	ssyncadd.s32 $0xFFFFFF00  }
0x33: {  	[tilespmem:s20], [sflag:$0x9] =	stream.indirect.gather [hbm4b:s1+s31], $0x80, s5, s31, $0xb8;
	[tilespmem:$0x1EA00] =	vst v63  }
0x34: {  	s21 =	simm.s32 $0x2800  }
0x35: {  	[tilespmem:s21], [sflag:$0xA] =	stream.indirect.gather [hbm4b:s1+s31], $0x80, s31, s31, $0xb8;
	[tilespmem:$0x1EA00] =	vst v63  }
0x36: {  	s24 =	simm.s32 $0x4800  }
0x37: {  	[tilespmem:s24], [sflag:$0xB] =	stream.indirect.gather [hbm4b:s1+s31], $0x80, s29, s31, $0xb8;
	[tilespmem:$0x1EA00] =	vst v63  }
0x38: {  	s26 =	simm.s32 $0x140;
	s28 =	simm.s32 $0x6800  }
0x39: {  	[tilespmem:s28], [sflag:$0xC] =	stream.indirect.gather [hbm4b:s1+s31], $0x80, s26, s31, $0xb8;
	[tilespmem:$0x1EA00] =	vst v63  }
0x3a: {  	_ =	swait.ge [sflag:s3], $0x2000  }
0x3b: {  	[sflag:s3] =	ssyncset.done $0x0  }
0x3c: {  	[sflag:s3] =	ssyncadd.s32 $0xFFFFE000  }
0x3d: {  	v2 =	vld [tilespmem:$0x80];
	_ =	sdelay $0x6  }
0x3e: {  	[tilespmem:$0x8800] =	vst v2  }
0x3f: {  	[tilespmem:v2+s25+$0x0] =	vst.idx.add.f32.msk $0xffff, v1  }
0x40: {  	v2 =	vld [tilespmem:$0x90];
	_ =	sdelay $0x6  }
0x41: {  	[tilespmem:$0x8810] =	vst v2  }
0x42: {  	[tilespmem:v2+s25+$0x0] =	vst.idx.add.f32.msk $0xffff, v1  }
0x43: {  	v2 =	vld [tilespmem:$0xA0];
	_ =	sdelay $0x6  }
0x44: {  	[tilespmem:$0x8820] =	vst v2  }
0x45: {  	[tilespmem:v2+s25+$0x0] =	vst.idx.add.f32.msk $0xffff, v1  }
0x46: {  	v2 =	vld [tilespmem:$0xB0];
	_ =	sdelay $0x3  }
0x47: {  	p2 =	sne.s32 s7, $0xFFFFFF66  }
.Ltmp1:
0x48: {  	p0 =	sle.u32 s9, $0x4;
	(pc) =	sbr.rel @!p2 .LBB2_4-.Ltmp1, $4  }
0x49: {  	s6 =	simm.s32 $0xFFFFFF66;
	p1 =	por $0x0, $0x0;
	s0 =	simm.s32 $0x80  }
0x4a: {  	s12 =	simm.s32 $0xFFFFFF65;
	s14 =	simm.s32 @!p0 $0x2;
	s19 =	simm.s32 $0x4;
	[tilespmem:$0x8830] =	vst v2  }
0x4b: {  	s13 =	sand.u32 @!p0 $0x3, s19;
	s21 =	sand.u32 @!p0 $0x1, s19;
	s29 =	simm.s32 $0x8800;
	[tilespmem:v2+s25+$0x0] =	vst.idx.add.f32.msk $0xffff, v1  }
0x4c: {  	[spmem:s4] =	stream.indirect.scatter.add.f32 [tilespmem:s20], [sflag:$0xD], $0x80, s29, s31, $0xb8;
	[tilespmem:$0x1EA00] =	vst v63  }
0x4d: {  	p3 =	seq.s32 @!p0 s21, $0x1;
	s12 =	sadd.s32 @!p0 $0xD, s13  }
0x4e: {  	s20 =	simm.s32 $0x1;
	s10 =	simm.s32 @!p0 $0x200;
	p2 =	por p3, p0  }
0x4f: {  	p1 =	por !p3, p0;
	_ =	swait.ge @!p0 [sflag:s12], $0x2000;
	s26 =	sand.u32 $0x3, s20  }
0x50: {  	s10 =	sand.u32 @!p0 $0x700, s10;
	s14 =	sand.u32 @!p2 $0x7, s14;
	s19 =	simm.s32 @!p2 $0x4  }
0x51: {  	p4 =	sle.u32 @!p2 s9, $0x8;
	[sflag:s12] =	ssyncset.done @!p0 $0x0;
	s28 =	sadd.s32 $0x9, s26  }
0x52: {  	s14 =	sadd.s32 @!p2 $0x1, s14;
	p5 =	por @!p0 !p4, p3;
	[sflag:s12] =	ssyncadd.s32 @!p0 $0xFFFFE000  }
0x53: {  	p3 =	por @!p0 p4, p3;
	s12 =	simm.s32 @!p0 $0x40;
	_ =	swait.ge @!p2 [sflag:s14], $0x100  }
0x54: {  	p4 =	por !p5, p0;
	p3 =	por p3, p0;
	[sflag:s14] =	ssyncset.done @!p2 $0x0  }
0x55: {  	s21 =	rddreg [dreg:$0x7];
	s24 =	simm.s32 @!p3 $0x0;
	s29 =	simm.s32 @!p3 $0x0  }
0x56: {  	[sflag:s14] =	ssyncadd.s32 @!p2 $0xFFFFFF00;
	s14 =	sand.u32 @!p3 $0x7, s19;
	s21 =	sadd.s32 @!p3 $0x4, s21  }
0x57: {  	s19 =	sshll.u32 @!p0 s13, $0xD;
	s29 =	simm.s32 @p4 $0x0;
	s21 =	sshll.u32 @!p3 s21, $0x5  }
0x58: {  	s20 =	sadd.s32 @!p3 $0x1, s14;
	s29 =	simm.s32 @!p1 $0x100;
	s21 =	sand.u32 @!p3 $0x1FFFFFE0, s21  }
0x59: {  	s14 =	sshll.u32 @!p3 s14, $0x8;
	s29 =	sshrl.u32 @!p0 s29, $0x2;
	s21 =	sadd.s32 @!p3 s2, s21  }
0x5a: {  	[tilespmem:s14], [sflag:s20] =	stream.linear.gather @!p3 [hbm4b:s21+s24], $0x100, $0x38;
	[tilespmem:$0x1EA00] =	vst v63  }
0x5b: {  	s13 =	sadd.s32 @!p0 $0x9, s13;
	s10 =	sor.u32 @!p0 s29, s10;
	s14 =	sor.u32 @!p0 $0x800, s19  }
0x5c: {  	[tilespmem:s14], [sflag:s13] =	stream.indirect.gather @!p0 [hbm4b:s1+s12], $0x80, s10, s12, $0xb8;
	[tilespmem:$0x1EA00] =	vst v63  }
0x5d: {  	_ =	swait.ge [sflag:s28], $0x2000  }
0x5e: {  	s0 =	sand.u32 $0x700, s0;
	s29 =	sand.u32 $0x40, s31;
	[sflag:s28] =	ssyncset.done $0x0  }
0x5f: {  	s10 =	sor.u32 s29, s0;
	[sflag:s28] =	ssyncadd.s32 $0xFFFFE000  }
0x60: {  	v2 =	vld [tilespmem:s10+$0x80];
	_ =	sdelay $0x5  }
0x61: {  	s19 =	sshll.u32 s26, $0x7  }
0x62: {  	[tilespmem:s19+$0x8800] =	vst v2  }
0x63: {  	[tilespmem:v2+s25+$0x0] =	vst.idx.add.f32.msk $0xffff, v1  }
0x64: {  	v2 =	vld [tilespmem:s10+$0x90];
	_ =	sdelay $0x6  }
0x65: {  	[tilespmem:s19+$0x8810] =	vst v2  }
0x66: {  	[tilespmem:v2+s25+$0x0] =	vst.idx.add.f32.msk $0xffff, v1  }
0x67: {  	v2 =	vld [tilespmem:s10+$0xA0];
	_ =	sdelay $0x3  }
0x68: {  	p2 =	sne.s32 s7, $0xFFFFFF67  }
.Ltmp2:
0x69: {  	_ = 	snop;
	(pc) =	sbr.rel @!p2 .LBB2_6-.Ltmp2, $4  }
0x6a: {  	s31 =	simm.s32 $0x80  }
0x6b: {  	s20 =	sshll.u32 s26, $0xD;
	s21 =	simm.s32 $0x5;
	p0 =	sle.u32 s9, $0x5;
	[tilespmem:s19+$0x8820] =	vst v2  }
0x6c: {  	s12 =	simm.s32 $0xFFFFFF67;
	s0 =	simm.s32 $0x100;
	s13 =	sand.u32 @!p0 $0x3, s21;
	[tilespmem:v2+s25+$0x0] =	vst.idx.add.f32.msk $0xffff, v1  }
0x6d: {  	s14 =	simm.s32 @!p0 $0x2;
	s21 =	sand.u32 @!p0 $0x1, s21;
	s24 =	rddreg [dreg:$0x8];
	v2 =	vld [tilespmem:s10+$0xB0]  }
.LBB2_7:
0x6e: {  	_ =	sdelay $0x3  }
0x6f: {  	s10 =	sadd.s32 @!p0 $0xD, s13;
	p5 =	seq.s32 @!p0 s21, $0x1;
	s26 =	sadd.s32 $0xD, s26  }
0x70: {  	s20 =	sor.u32 $0x800, s20;
	s6 =	sadd.s32 $0x9C, s6;
	p4 =	por p5, p0  }
0x71: {  	p3 =	por !p5, p0;
	s29 =	sand.u32 @!p4 $0x7, s14;
	s8 =	sadd.s32 @!p4 $0x2, s14;
	[tilespmem:s19+$0x8830] =	vst v2  }
0x72: {  	s14 =	sshll.u32 @!p0 s14, $0x8;
	s28 =	sshll.u32 @!p4 s8, $0x1;
	s19 =	sor.u32 $0x8800, s19;
	[tilespmem:v2+s25+$0x0] =	vst.idx.add.f32.msk $0xffff, v1  }
0x73: {  	[spmem:s4] =	stream.indirect.scatter.add.f32 [tilespmem:s20], [sflag:s26], $0x80, s19, s24, $0xb8;
	[tilespmem:$0x1EA00] =	vst v63  }
0x74: {  	s29 =	sadd.s32 @!p4 $0x1, s29;
	p1 =	sge.u32 @!p4 s28, s9;
	_ =	swait.ge @!p0 [sflag:s10], $0x2000  }
0x75: {  	p6 =	por @!p0 p1, p5;
	p1 =	por @!p0 !p1, p5;
	[sflag:s10] =	ssyncset.done @!p0 $0x0  }
0x76: {  	s14 =	sand.u32 @!p0 $0x700, s14;
	p5 =	por !p1, p0;
	[sflag:s10] =	ssyncadd.s32 @!p0 $0xFFFFE000  }
0x77: {  	s26 =	sand.u32 $0x3, s6;
	s24 =	sshll.u32 @!p0 s13, $0xD;
	_ =	swait.ge @!p4 [sflag:s29], $0x100  }
0x78: {  	s13 =	sadd.s32 @!p0 $0x9, s13;
	s10 =	simm.s32 @!p0 $0x40;
	[sflag:s29] =	ssyncset.done @!p4 $0x0  }
0x79: {  	s20 =	rddreg [dreg:$0x7];
	[sflag:s29] =	ssyncadd.s32 @!p4 $0xFFFFFF00;
	p4 =	por p6, p0  }
0x7a: {  	s6 =	sand.u32 @!p4 $0x7, s8;
	s8 =	sadd.s32 @!p4 s20, s8;
	s29 =	simm.s32 @!p4 $0x0  }
0x7b: {  	s20 =	simm.s32 @!p4 $0x0;
	s8 =	sshll.u32 @!p4 s8, $0x5;
	s29 =	simm.s32 @p5 $0x0  }
0x7c: {  	s28 =	sadd.s32 @!p4 $0x1, s6;
	s8 =	sand.u32 @!p4 $0x1FFFFFE0, s8;
	s29 =	simm.s32 @!p3 $0x100  }
0x7d: {  	s6 =	sshll.u32 @!p4 s6, $0x8;
	s8 =	sadd.s32 @!p4 s2, s8;
	s29 =	sshrl.u32 @!p0 s29, $0x2  }
0x7e: {  	[tilespmem:s6], [sflag:s28] =	stream.linear.gather @!p4 [hbm4b:s8+s20], $0x100, $0x38;
	[tilespmem:$0x1EA00] =	vst v63  }
0x7f: {  	s6 =	sor.u32 @!p0 $0x800, s24;
	s8 =	sor.u32 @!p0 s29, s14;
	s14 =	sadd.s32 $0x9, s26  }
0x80: {  	[tilespmem:s6], [sflag:s13] =	stream.indirect.gather @!p0 [hbm4b:s1+s10], $0x80, s8, s10, $0xb8;
	[tilespmem:$0x1EA00] =	vst v63  }
0x81: {  	_ =	swait.ge [sflag:s14], $0x2000  }
0x82: {  	s19 =	sand.u32 $0x700, s0;
	s28 =	sand.u32 $0x40, s31;
	[sflag:s14] =	ssyncset.done $0x0  }
0x83: {  	s29 =	sor.u32 s28, s19;
	[sflag:s14] =	ssyncadd.s32 $0xFFFFE000  }
0x84: {  	v2 =	vld [tilespmem:s29+$0x80];
	_ =	sdelay $0x5  }
0x85: {  	s19 =	sshll.u32 s26, $0x7  }
0x86: {  	[tilespmem:s19+$0x8800] =	vst v2  }
0x87: {  	[tilespmem:v2+s25+$0x0] =	vst.idx.add.f32.msk $0xffff, v1  }
0x88: {  	v2 =	vld [tilespmem:s29+$0x90];
	_ =	sdelay $0x6  }
0x89: {  	[tilespmem:s19+$0x8810] =	vst v2  }
0x8a: {  	[tilespmem:v2+s25+$0x0] =	vst.idx.add.f32.msk $0xffff, v1  }
0x8b: {  	v2 =	vld [tilespmem:s29+$0xA0];
	_ =	sdelay $0x2  }
0x8c: {  	s21 =	smov.u32 s12;
	s12 =	sadd.s32 $0x1, s12  }
0x8d: {  	p2 =	sne.s32 s7, s12  }
.Ltmp3:
0x8e: {  	_ = 	snop;
	(pc) =	sbr.rel @p2 .LBB2_7-.Ltmp3, $4  }
0x8f: {  	s6 =	smov.u32 s21  }
0x90: {  	s0 =	sadd.s32 $0x80, s0;
	s20 =	sshll.u32 s26, $0xD;
	s8 =	sadd.s32 $0x9F, s6;
	[tilespmem:s19+$0x8820] =	vst v2  }
0x91: {  	s31 =	sadd.s32 $0x40, s31;
	s24 =	rddreg [dreg:$0x8];
	p0 =	sge.u32 s8, s9;
	[tilespmem:v2+s25+$0x0] =	vst.idx.add.f32.msk $0xffff, v1  }
0x92: {  	s13 =	sand.u32 @!p0 $0x3, s8;
	s14 =	sshrl.u32 @!p0 s8, $0x1;
	s21 =	sand.u32 @!p0 $0x1, s8;
	v2 =	vld [tilespmem:s29+$0xB0]  }
0x93: {  	s12 =	smov.u32 s6;
	p1 =	por $0x1, $0x1  }
.LBB2_9:
0x94: {  	_ =	sdelay $0x5  }
0x95: {  	[tilespmem:s19+$0x8830] =	vst @p1 v2  }
0x96: {  	s6 =	sadd.s32 @p1 $0xD, s26;
	s8 =	sor.u32 @p1 $0x800, s20;
	s10 =	sor.u32 @p1 $0x8800, s19;
	[tilespmem:v2+s25+$0x0] =	vst.idx.add.f32.msk @p1 $0xffff, v1  }
0x97: {  	[spmem:s4] =	stream.indirect.scatter.add.f32 @p1 [tilespmem:s8], [sflag:s6], $0x80, s10, s24, $0xb8;
	[tilespmem:$0x1EA00] =	vst v63  }
0x98: {  	s6 =	sadd.s32 @!p0 $0xD, s13;
	p1 =	seq.s32 @!p0 s21, $0x1  }
0x99: {  	p2 =	por p1, p0;
	_ =	swait.ge @!p0 [sflag:s6], $0x2000  }
0x9a: {  	[sflag:s6] =	ssyncset.done @!p0 $0x0;
	s10 =	sadd.s32 @!p2 $0x2, s14  }
0x9b: {  	s8 =	sand.u32 @!p2 $0x7, s14;
	[sflag:s6] =	ssyncadd.s32 @!p0 $0xFFFFE000;
	s6 =	sshll.u32 @!p2 s10, $0x1  }
0x9c: {  	s8 =	sadd.s32 @!p2 $0x1, s8;
	p3 =	sge.u32 @!p2 s6, s9  }
0x9d: {  	_ =	swait.ge @!p2 [sflag:s8], $0x100;
	p4 =	por @!p0 p3, p1  }
0x9e: {  	s6 =	rddreg [dreg:$0x7];
	p4 =	por p4, p0  }
0x9f: {  	[sflag:s8] =	ssyncset.done @!p2 $0x0;
	s6 =	sadd.s32 @!p4 s6, s10  }
0xa0: {  	[sflag:s8] =	ssyncadd.s32 @!p2 $0xFFFFFF00;
	p2 =	por @!p0 !p3, p1;
	s6 =	sshll.u32 @!p4 s6, $0x5  }
0xa1: {  	s10 =	sand.u32 @!p4 $0x7, s10;
	s19 =	simm.s32 @!p4 $0x0;
	s6 =	sand.u32 @!p4 $0x1FFFFFE0, s6  }
0xa2: {  	s8 =	sadd.s32 @!p4 $0x1, s10;
	s10 =	sshll.u32 @!p4 s10, $0x8;
	s6 =	sadd.s32 @!p4 s2, s6  }
0xa3: {  	[tilespmem:s10], [sflag:s8] =	stream.linear.gather @!p4 [hbm4b:s6+s19], $0x100, $0x38;
	[tilespmem:$0x1EA00] =	vst v63  }
0xa4: {  	p2 =	por !p2, p0;
	s6 =	simm.s32 @!p4 $0x0  }
0xa5: {  	p1 =	por !p1, p0;
	s8 =	sshll.u32 @!p0 s14, $0x8;
	s6 =	simm.s32 @p2 $0x0  }
0xa6: {  	s10 =	sshll.u32 @!p0 s13, $0xD;
	s13 =	sadd.s32 @!p0 $0x9, s13;
	s6 =	simm.s32 @!p1 $0x100  }
0xa7: {  	s14 =	sadd.s32 $0x9C, s12;
	s8 =	sand.u32 @!p0 $0x700, s8;
	s6 =	sshrl.u32 @!p0 s6, $0x2  }
0xa8: {  	s10 =	sor.u32 @!p0 $0x800, s10;
	s6 =	sor.u32 @!p0 s6, s8;
	s8 =	simm.s32 @!p0 $0x40  }
0xa9: {  	[tilespmem:s10], [sflag:s13] =	stream.indirect.gather @!p0 [hbm4b:s1+s8], $0x80, s6, s8, $0xb8;
	[tilespmem:$0x1EA00] =	vst v63  }
0xaa: {  	s6 =	sand.u32 $0x3, s14  }
0xab: {  	s19 =	sadd.s32 $0x9, s6  }
0xac: {  	_ =	swait.ge [sflag:s19], $0x2000  }
0xad: {  	s0 =	sand.u32 $0x700, s0;
	s20 =	sand.u32 $0x40, s31;
	[sflag:s19] =	ssyncset.done $0x0  }
0xae: {  	s0 =	sor.u32 s20, s0;
	[sflag:s19] =	ssyncadd.s32 $0xFFFFE000  }
0xaf: {  	v2 =	vld [tilespmem:s0+$0x80];
	_ =	sdelay $0x5  }
0xb0: {  	s21 =	sshll.u32 s6, $0x7  }
0xb1: {  	[tilespmem:s21+$0x8800] =	vst v2  }
0xb2: {  	[tilespmem:v2+s25+$0x0] =	vst.idx.add.f32.msk $0xffff, v1  }
0xb3: {  	v2 =	vld [tilespmem:s0+$0x90];
	_ =	sdelay $0x6  }
0xb4: {  	[tilespmem:s21+$0x8810] =	vst v2  }
0xb5: {  	[tilespmem:v2+s25+$0x0] =	vst.idx.add.f32.msk $0xffff, v1  }
0xb6: {  	v2 =	vld [tilespmem:s0+$0xA0];
	_ =	sdelay $0x6  }
0xb7: {  	[tilespmem:s21+$0x8820] =	vst v2  }
0xb8: {  	[tilespmem:v2+s25+$0x0] =	vst.idx.add.f32.msk $0xffff, v1  }
0xb9: {  	v2 =	vld [tilespmem:s0+$0xB0];
	_ =	sdelay $0x6  }
0xba: {  	s26 =	sshll.u32 s6, $0xD;
	s6 =	sadd.s32 $0xD, s6;
	[tilespmem:s21+$0x8830] =	vst v2  }
0xbb: {  	s10 =	sor.u32 $0x800, s26;
	s8 =	sor.u32 $0x8800, s21;
	s24 =	rddreg [dreg:$0x8];
	[tilespmem:v2+s25+$0x0] =	vst.idx.add.f32.msk $0xffff, v1  }
0xbc: {  	[spmem:s4] =	stream.indirect.scatter.add.f32 [tilespmem:s10], [sflag:s6], $0x80, s8, s24, $0xb8;
	[tilespmem:$0x1EA00] =	vst v63  }
0xbd: {  	_ =	swait.ge [sflag:s15], $0x2000  }
0xbe: {  	[sflag:s15] =	ssyncset.done $0x0  }
0xbf: {  	[sflag:s15] =	ssyncadd.s32 $0xFFFFE000  }
0xc0: {  	_ =	swait.ge [sflag:s16], $0x2000  }
0xc1: {  	[sflag:s16] =	ssyncset.done $0x0  }
0xc2: {  	[sflag:s16] =	ssyncadd.s32 $0xFFFFE000  }
0xc3: {  	_ =	swait.ge [sflag:s17], $0x2000  }
0xc4: {  	[sflag:s17] =	ssyncset.done $0x0  }
0xc5: {  	[sflag:s17] =	ssyncadd.s32 $0xFFFFE000  }
0xc6: {  	_ =	swait.ge [sflag:s18], $0x2000  }
0xc7: {  	[sflag:s18] =	ssyncset.done $0x0  }
0xc8: {  	[sflag:s18] =	ssyncadd.s32 $0xFFFFE000  }
0xc9: {  	[bflag:$0x0] =	sbarrier.arrive $0xFFFF  }
0xca: {  	s28 =	rddreg [dreg:$0xd]  }
0xcb: {  	[hbm:s28], [sflag:s11] =	dma.local [spmem:s22], $0x2800  }
0xcc: {  	_ =	swait.ge [sflag:s23], $0x2800  }
0xcd: {  	[sflag:s23] =	ssyncset.done $0x0  }
0xce: {  	s29 =	rddreg [dreg:$0xe];
	[sflag:s23] =	ssyncadd.s32 $0xFFFFD800  }
0xcf: {  	[hbm4b:s29+s5] =	stream.linear.scatter [tilespmem:s25], [sflag:$0x11], $0x2780, $0x38;
	[tilespmem:$0x1EA00] =	vst v63  }
0xd0: {  	_ =	swait.ge [sflag:s23], $0x2780  }
0xd1: {  	s30 =	sadd.s32 $0x1, s30;
	s31 =	rddreg [dreg:$0xf]  }
0xd2: {  	p0 =	sne.s32 s30, s31  }
.Ltmp4:
0xd3: {  	_ = 	snop;
	(pc) =	sbr.rel @p0 .LBB2_1-.Ltmp4, $4  }
.Ltmp5:
0xd4: {  	_ = 	snop;
	(pc) =	sbr.rel @!p0 .LBB2_10-.Ltmp5, $4  }
0xd5: {  	_ = 	snop  }
0xd6: {  	[sflag:s23] =	ssyncset.done $0x0  }
0xd7: {  	[sflag:s23] =	ssyncadd.s32 $0xFFFFD880  }
0xd8: {  	_ = 	snop  }
.LBB2_4:
.Ltmp6:
0xd9: {  	(pc) =	sbr.rel .LBB2_9-.Ltmp6, $2  }
0xda: {  	_ =	sdelay $0x2  }
0xdb: {  	_ = 	snop  }
.LBB2_6:
.Ltmp7:
0xdc: {  	(pc) =	sbr.rel .LBB2_9-.Ltmp7, $2  }
0xdd: {  	_ =	sdelay $0x2  }
0xde: {  	s12 =	simm.s32 $0xFFFFFF66;
	p1 =	por $0x1, $0x1  }
.LBB2_10:
0xdf: {  	_ =	sfence.sel $0x180000  }
0xe0: {  	[bflag:$0x0] =	sbarrier.arrive $0xFFFF  }
0xe1: {  	_ =	strace $0x90000047  }
0xe2: {  	s0 =	stileid.u32;
	[bflag:$0x2] =	sbarrier.arrive $0xFFFF  }
0xe3: {  	p0 =	sne.s32 s0, $0x0;
	s0 =	rddreg [dreg:$0x6]  }
0xe4: {  	s0 =	sadd.s32 @!p0 $0x100000, s0  }
0xe5: {  	[sflag:s0] =	ssyncadd.tile.s32 @!p0 $0x1;
	_ =	shalt  }
.Lfunc_end2:
_tile_overlayer_lowered:
.L_overlay_start_2:
0xe6: {  	(tag) =	ssettag $0x2  }
0xe7: {  	s0 =	rddreg [dreg:$0x0];
	s2 =	stileid.u32  }
0xe8: {  	s1 =	rddreg [dreg:$0x1];
	p0 =	sne.s32 s2, $0x0  }
0xe9: {  	s3 =	rddreg [dreg:$0x2];
	[bflag:$0x3] =	sbarrier.arrive $0xFFFF;
	s2 =	simm.s32 @!p0 $0x1C11  }
0xea: {  	[timem:s3], [sflag:s2] =	dma.local @!p0 [hbm:s0], s1  }
0xeb: {  	s0 =	simm.s32 @!p0 $0x11  }
0xec: {  	_ =	swait.ge @!p0 [sflag:s0], s1  }
0xed: {  	s1 =	ssub.s32 @!p0 $0x0, s1;
	[sflag:s0] =	ssyncset.done @!p0 $0x0  }
0xee: {  	[sflag:s0] =	ssyncadd.s32 @!p0 s1  }
0xef: {  	[bflag:$0x3] =	sbarrier.arrive $0xFFFF  }
0xf0: {  	_ =	shalt  }

</sc_bundles>
